<compile_context>
chip_gen: v7x
topology: tpu7x:2x2x1
jax: 0.10.2.dev20260603
libtpu: 0.0.44.dev20260713+nightly
codegen_flags: <defaults>
</compile_context>

<pallas_src>
import functools

import jax
import jax.numpy as jnp
from jax import lax
from jax.experimental import pallas as pl
from jax.experimental.pallas import tpu as pltpu
from jax.experimental.pallas import tpu_sc as plsc

_B, _S = 128, 1024
_VOCAB, _DIM, _PAD, _BIO = 25, 256, 20, 5
_N = _B * _S

_NW = 32
_NTOK = _N // _NW
_G = 32
_NSUB = _G // 16
_NGROUP = _NTOK // _G
_PHTOK = 1024
_GPP = _PHTOK // _G


def _fold_body(table_ref, wf_ref, wp_ref, bp_ref, bf_ref, w1_ref, w2_ref, b2_ref):
    tbl = table_ref[...]
    row = lax.broadcasted_iota(jnp.int32, tbl.shape, 0)
    tbl = jnp.where(row == _PAD, 0.0, tbl)
    wf_top = wf_ref[0:_DIM, :]
    wf_bot = wf_ref[_DIM:2 * _DIM, :]
    w1 = jnp.dot(tbl, wf_top, preferred_element_type=jnp.float32)
    w2 = jnp.dot(wp_ref[...], wf_bot, preferred_element_type=jnp.float32)
    b2 = jnp.dot(bp_ref[...], wf_bot, preferred_element_type=jnp.float32) + bf_ref[...]
    w1_ref[...] = w1 - jnp.mean(w1, axis=1, keepdims=True)
    w2_ref[...] = w2 - jnp.mean(w2, axis=1, keepdims=True)
    b2_ref[...] = b2 - jnp.mean(b2, axis=1, keepdims=True)


def _fold(table, Wp, bp, Wf, bf):
    table_pad = jnp.pad(table, ((0, 32 - _VOCAB), (0, 0)))
    wp_pad = jnp.pad(Wp, ((0, 8 - _BIO), (0, 0)))
    return pl.pallas_call(
        _fold_body,
        out_shape=(
            jax.ShapeDtypeStruct((32, _DIM), jnp.float32),
            jax.ShapeDtypeStruct((8, _DIM), jnp.float32),
            jax.ShapeDtypeStruct((1, _DIM), jnp.float32),
        ),
    )(table_pad, Wf, wp_pad, bp.reshape(1, _DIM), bf.reshape(1, _DIM))


def _sc_body(idx_hbm, bio_hbm, t2c_hbm, w2x_hbm, b2x_hbm, gx_hbm, btx_hbm,
             out_hbm,
             idx_v, bio_v, t2c_v, w2x_v, b2x_v, gx_v, btx_v, stage_v, outbuf_v,
             sem0, sem1):
    cid = lax.axis_index("c")
    sid = lax.axis_index("s")
    wid = sid * 2 + cid
    tok0 = wid * _NTOK

    pltpu.sync_copy(idx_hbm.at[pl.ds(tok0, _NTOK)], idx_v)
    pltpu.sync_copy(t2c_hbm, t2c_v)
    pltpu.sync_copy(w2x_hbm, w2x_v)
    pltpu.sync_copy(b2x_hbm, b2x_v)
    pltpu.sync_copy(gx_hbm, gx_v)
    pltpu.sync_copy(btx_hbm, btx_v)

    lane = lax.iota(jnp.int32, 16)
    sems = [sem0, sem1]

    def pair_body(p, carry):
      @pl.when(lax.rem(p, _GPP // 2) == 0)
      def _stage_bio():
          ph = lax.div(p, _GPP // 2)
          pltpu.sync_copy(
              bio_hbm.at[pl.ds((tok0 + ph * _PHTOK) * 8, _PHTOK * 8)], bio_v)

      for h in range(2):
        g = p * 2 + h
        base = g * _G
        lbase = lax.rem(g, _GPP) * _G
        rowaddr = []
        bvecs = []
        for s in range(_NSUB):
            idxv = idx_v[pl.ds(base + s * 16, 16)]
            rowaddr.append(idxv * 257)
            baddr = (lbase + s * 16) * 8 + lane * 8
            bvecs.append([plsc.load_gather(bio_v, [baddr + k]) for k in range(_BIO)])

        zero = jnp.zeros((16,), jnp.float32)

        def p1(i, accs):
            new = list(accs)
            for u in range(2):
                d = i + u
                w = [w2x_v[pl.ds(k * (_DIM * 16) + d * 16, 16)] for k in range(_BIO)]
                b2 = b2x_v[pl.ds(d * 16, 16)]
                for s in range(_NSUB):
                    g0 = plsc.load_gather(t2c_v, [rowaddr[s] + d]) + b2
                    m01 = bvecs[s][0] * w[0] + bvecs[s][1] * w[1]
                    m23 = bvecs[s][2] * w[2] + bvecs[s][3] * w[3]
                    e = (g0 + bvecs[s][4] * w[4]) + (m01 + m23)
                    stage_v[pl.ds(d * _G + s * 16, 16)] = e
                    j = u * _NSUB + s
                    new[j] = new[j] + e * e
            return tuple(new)

        accs = plsc.parallel_loop(
            0, _DIM, 2, unroll=2,
            carry=tuple(zero for _ in range(2 * _NSUB)))(p1)

        invs = []
        for s in range(_NSUB):
            x = (accs[s] + accs[_NSUB + s]) * (1.0 / _DIM) + 1e-5
            i32 = plsc.bitcast(x, jnp.int32)
            y = plsc.bitcast(jnp.int32(0x5F3759DF) - (i32 >> 1), jnp.float32)
            for _ in range(3):
                y = y * (1.5 - 0.5 * x * y * y)
            invs.append(y)

        rowidx = [h * _G + lane + s * 16 for s in range(_NSUB)]

        @pl.when(p > 0)
        def _wait_prev():
            pltpu.make_async_copy(
                outbuf_v.at[pl.ds(h * _G, _G), 0:_DIM],
                out_hbm.at[pl.ds(tok0 + (g - 2) * _G, _G), :],
                sems[h]).wait()

        def p2(d, c2):
            gsp = gx_v[pl.ds(d * 16, 16)]
            bsp = btx_v[pl.ds(d * 16, 16)]
            dcol = jnp.full((16,), d, jnp.int32)
            for s in range(_NSUB):
                e = stage_v[pl.ds(d * _G + s * 16, 16)]
                plsc.store_scatter(outbuf_v, [rowidx[s], dcol],
                                   (e * invs[s]) * gsp + bsp)
            return c2

        plsc.parallel_loop(0, _DIM, 1, unroll=2, carry=jnp.int32(0))(p2)
        pltpu.make_async_copy(outbuf_v.at[pl.ds(h * _G, _G), 0:_DIM],
                              out_hbm.at[pl.ds(tok0 + base, _G), :],
                              sems[h]).start()
      return carry

    lax.fori_loop(0, _NGROUP // 2, pair_body, 0)
    for h in range(2):
        g = _NGROUP - 2 + h
        pltpu.make_async_copy(outbuf_v.at[pl.ds(h * _G, _G), 0:_DIM],
                              out_hbm.at[pl.ds(tok0 + g * _G, _G), :],
                              sems[h]).wait()


def _sc_run(idx, bio8_flat, t2c_flat, w2x_flat, b2x_flat, gx_flat, btx_flat):
    mesh = plsc.VectorSubcoreMesh(core_axis_name="c", subcore_axis_name="s")
    f = functools.partial(
        pl.kernel, _sc_body,
        out_type=jax.ShapeDtypeStruct((_N, _DIM), jnp.float32),
        mesh=mesh,
        scratch_types=[
            pltpu.VMEM((_NTOK,), jnp.int32),
            pltpu.VMEM((_PHTOK * 8,), jnp.float32),
            pltpu.VMEM((32 * 257,), jnp.float32),
            pltpu.VMEM((_BIO * _DIM * 16,), jnp.float32),
            pltpu.VMEM((_DIM * 16,), jnp.float32),
            pltpu.VMEM((_DIM * 16,), jnp.float32),
            pltpu.VMEM((_DIM * 16,), jnp.float32),
            pltpu.VMEM((_DIM * _G,), jnp.float32),
            pltpu.VMEM((2 * _G, 257), jnp.float32),
            pltpu.SemaphoreType.DMA,
            pltpu.SemaphoreType.DMA,
        ],
        compiler_params=pltpu.CompilerParams(needs_layout_passes=False),
    )()
    return f(idx, bio8_flat, t2c_flat, w2x_flat, b2x_flat, gx_flat, btx_flat)


def kernel(aa_indices, biochem_features, table, Wp, bp, Wf, bf, gamma, beta):
    idx = aa_indices.astype(jnp.int32).reshape(_N)
    bio = jnp.pad(biochem_features.reshape(_N, _BIO), ((0, 0), (0, 8 - _BIO)))
    w1c, w2c, b2c = _fold(table, Wp, bp, Wf, bf)

    t2c_flat = jnp.pad(w1c, ((0, 0), (0, 1))).reshape(-1)
    w2x_flat = jnp.broadcast_to(w2c[:_BIO, :, None], (_BIO, _DIM, 16)).reshape(-1)
    b2x_flat = jnp.broadcast_to(b2c.reshape(_DIM, 1), (_DIM, 16)).reshape(-1)
    gx_flat = jnp.broadcast_to(gamma.reshape(_DIM, 1), (_DIM, 16)).reshape(-1)
    btx_flat = jnp.broadcast_to(beta.reshape(_DIM, 1), (_DIM, 16)).reshape(-1)

    out = _sc_run(idx, bio.reshape(-1), t2c_flat, w2x_flat, b2x_flat,
                  gx_flat, btx_flat)
    return out.reshape(_B, _S, _DIM)

# --- scband reference (transcript-rebuilt; emitter-appended) ---
"""Pipeline reference for scband-sequence-embedding-78365973283098 (READ-ONLY COPY).

The authoritative reference and input builder live on the scoring server;
editing this copy changes nothing except your own understanding.
"""

import jax, jax.numpy as jnp
import numpy as np

B, S = 128, 1024
VOCAB, DIM, PAD, BIO = 25, 256, 20, 5


def setup_inputs(seed: int = 0) -> dict:
    key = jax.random.key(seed)
    ks = jax.random.split(key, 8)
    aa_indices = jax.random.randint(ks[0], (B, S), 0, VOCAB, dtype=jnp.int64 if jax.config.jax_enable_x64 else jnp.int32)
    biochem_features = jax.random.normal(ks[1], (B, S, BIO), dtype=jnp.float32)
    table = jax.random.normal(ks[2], (VOCAB, DIM), dtype=jnp.float32) * 0.02
    table = table.at[PAD].set(0.0)
    Wp = jax.random.normal(ks[3], (BIO, DIM), dtype=jnp.float32) * (1.0 / np.sqrt(BIO))
    bp = jnp.zeros((DIM,), dtype=jnp.float32)
    Wf = jax.random.normal(ks[4], (2 * DIM, DIM), dtype=jnp.float32) * (1.0 / np.sqrt(2 * DIM))
    bf = jnp.zeros((DIM,), dtype=jnp.float32)
    gamma = jnp.ones((DIM,), dtype=jnp.float32)
    beta = jnp.zeros((DIM,), dtype=jnp.float32)
    return {"aa_indices": aa_indices, "biochem_features": biochem_features, "table": table,
            "Wp": Wp, "bp": bp, "Wf": Wf, "bf": bf, "gamma": gamma, "beta": beta}


def reference(aa_indices, biochem_features, table, Wp, bp, Wf, bf, gamma, beta):
    # nn.Embedding with padding_idx: padding rows are zero vectors and receive no grad.
    mask = (aa_indices != PAD)[..., None].astype(table.dtype)
    aa_embed = jnp.take(table, aa_indices, axis=0) * mask
    # biochem projection
    biochem_embed = biochem_features @ Wp + bp
    # fusion linear over concatenated features
    cat = jnp.concatenate([aa_embed, biochem_embed], axis=-1)
    embed = cat @ Wf + bf
    # dropout in eval mode = identity
    # layer norm (eps = 1e-5, affine)
    mean = jnp.mean(embed, axis=-1, keepdims=True)
    var = jnp.var(embed, axis=-1, keepdims=True)
    out = (embed - mean) / jnp.sqrt(var + 1e-5) * gamma + beta
    return out

if __name__ == "__main__":
    import jax
    _d = setup_inputs()
    print(jax.jit(kernel)(*tuple(_d.values())))

</pallas_src>

<mosaic_0001>
#map = affine_map<(d0, d1) -> (0)>
#map1 = affine_map<(d0, d1) -> (0, 0)>
module attributes {stable_mosaic.version = 14 : i64} {
  func.func @_sc_body(%arg0: i32, %arg1: i32, %arg2: memref<131072xi32, #tpu.memory_space<hbm>>, %arg3: memref<1048576xf32, #tpu.memory_space<hbm>>, %arg4: memref<8224xf32, #tpu.memory_space<hbm>>, %arg5: memref<20480xf32, #tpu.memory_space<hbm>>, %arg6: memref<4096xf32, #tpu.memory_space<hbm>>, %arg7: memref<4096xf32, #tpu.memory_space<hbm>>, %arg8: memref<4096xf32, #tpu.memory_space<hbm>>, %arg9: memref<131072x256xf32, #tpu.memory_space<hbm>>, %arg10: memref<4096xi32, #tpu.memory_space<vmem>>, %arg11: memref<8192xf32, #tpu.memory_space<vmem>>, %arg12: memref<8224xf32, #tpu.memory_space<vmem>>, %arg13: memref<20480xf32, #tpu.memory_space<vmem>>, %arg14: memref<4096xf32, #tpu.memory_space<vmem>>, %arg15: memref<4096xf32, #tpu.memory_space<vmem>>, %arg16: memref<4096xf32, #tpu.memory_space<vmem>>, %arg17: memref<8192xf32, #tpu.memory_space<vmem>>, %arg18: memref<64x257xf32, #tpu.memory_space<vmem>>, %arg19: memref<!tpu.dma_semaphore, #tpu.memory_space<semaphore_mem>>, %arg20: memref<!tpu.dma_semaphore, #tpu.memory_space<semaphore_mem>>) attributes {dimension_semantics = [#tpu.dimension_semantics<core_parallel>, #tpu.dimension_semantics<subcore_parallel>], iteration_bounds = array<i64: 2, 16>, scalar_prefetch = 0 : i64, scratch_operands = 11 : i64, tpu.core_type = #tpu.core_type<sc_vector_subcore>, window_params = [{transform_indices = #map}, {transform_indices = #map}, {transform_indices = #map}, {transform_indices = #map}, {transform_indices = #map}, {transform_indices = #map}, {transform_indices = #map}, {transform_indices = #map1}]} {
    %mul3A = arith.constant 2 : i32
    %mul3A_0 = arith.muli %arg1, %mul3A : i32
    %add3A = arith.addi %mul3A_0, %arg0 : i32
    %mul3A_1 = arith.constant 4096 : i32
    %mul3A_2 = arith.muli %add3A, %mul3A_1 : i32
    "tpu.region"() ({
      %run_scoped3A = tpu.sem_alloc : memref<!tpu.dma_semaphore, #tpu.memory_space<semaphore_mem>>
      %dma_start3A = tpu.memref_slice %arg2[%mul3A_2] : memref<131072xi32, #tpu.memory_space<hbm>> -> memref<4096xi32, #tpu.memory_space<hbm>>
      %dma_start3A_31 = tpu.memref_slice %arg2[%mul3A_2] : memref<131072xi32, #tpu.memory_space<hbm>> -> memref<4096xi32, #tpu.memory_space<hbm>>
      tpu.enqueue_dma source(%dma_start3A_31 : memref<4096xi32, #tpu.memory_space<hbm>>) target(%arg10 : memref<4096xi32, #tpu.memory_space<vmem>>) target_semaphore(%run_scoped3A : memref<!tpu.dma_semaphore, #tpu.memory_space<semaphore_mem>>)
      %dma_wait3A_32 = tpu.memref_slice %arg2[%mul3A_2] : memref<131072xi32, #tpu.memory_space<hbm>> -> memref<4096xi32, #tpu.memory_space<hbm>>
      %dma_wait3A_33 = tpu.memref_slice %arg2[%mul3A_2] : memref<131072xi32, #tpu.memory_space<hbm>> -> memref<4096xi32, #tpu.memory_space<hbm>>
      tpu.wait_dma2 semaphore(%run_scoped3A : memref<!tpu.dma_semaphore, #tpu.memory_space<semaphore_mem>>) src(%dma_wait3A_33 : memref<4096xi32, #tpu.memory_space<hbm>>) dst(%arg10 : memref<4096xi32, #tpu.memory_space<vmem>>)
      tpu.yield
    }) : () -> ()
    "tpu.region"() ({
      %run_scoped3A = tpu.sem_alloc : memref<!tpu.dma_semaphore, #tpu.memory_space<semaphore_mem>>
      tpu.enqueue_dma source(%arg4 : memref<8224xf32, #tpu.memory_space<hbm>>) target(%arg12 : memref<8224xf32, #tpu.memory_space<vmem>>) target_semaphore(%run_scoped3A : memref<!tpu.dma_semaphore, #tpu.memory_space<semaphore_mem>>)
      tpu.wait_dma2 semaphore(%run_scoped3A : memref<!tpu.dma_semaphore, #tpu.memory_space<semaphore_mem>>) src(%arg4 : memref<8224xf32, #tpu.memory_space<hbm>>) dst(%arg12 : memref<8224xf32, #tpu.memory_space<vmem>>)
      tpu.yield
    }) : () -> ()
    "tpu.region"() ({
      %run_scoped3A = tpu.sem_alloc : memref<!tpu.dma_semaphore, #tpu.memory_space<semaphore_mem>>
      tpu.enqueue_dma source(%arg5 : memref<20480xf32, #tpu.memory_space<hbm>>) target(%arg13 : memref<20480xf32, #tpu.memory_space<vmem>>) target_semaphore(%run_scoped3A : memref<!tpu.dma_semaphore, #tpu.memory_space<semaphore_mem>>)
      tpu.wait_dma2 semaphore(%run_scoped3A : memref<!tpu.dma_semaphore, #tpu.memory_space<semaphore_mem>>) src(%arg5 : memref<20480xf32, #tpu.memory_space<hbm>>) dst(%arg13 : memref<20480xf32, #tpu.memory_space<vmem>>)
      tpu.yield
    }) : () -> ()
    "tpu.region"() ({
      %run_scoped3A = tpu.sem_alloc : memref<!tpu.dma_semaphore, #tpu.memory_space<semaphore_mem>>
      tpu.enqueue_dma source(%arg6 : memref<4096xf32, #tpu.memory_space<hbm>>) target(%arg14 : memref<4096xf32, #tpu.memory_space<vmem>>) target_semaphore(%run_scoped3A : memref<!tpu.dma_semaphore, #tpu.memory_space<semaphore_mem>>)
      tpu.wait_dma2 semaphore(%run_scoped3A : memref<!tpu.dma_semaphore, #tpu.memory_space<semaphore_mem>>) src(%arg6 : memref<4096xf32, #tpu.memory_space<hbm>>) dst(%arg14 : memref<4096xf32, #tpu.memory_space<vmem>>)
      tpu.yield
    }) : () -> ()
    "tpu.region"() ({
      %run_scoped3A = tpu.sem_alloc : memref<!tpu.dma_semaphore, #tpu.memory_space<semaphore_mem>>
      tpu.enqueue_dma source(%arg7 : memref<4096xf32, #tpu.memory_space<hbm>>) target(%arg15 : memref<4096xf32, #tpu.memory_space<vmem>>) target_semaphore(%run_scoped3A : memref<!tpu.dma_semaphore, #tpu.memory_space<semaphore_mem>>)
      tpu.wait_dma2 semaphore(%run_scoped3A : memref<!tpu.dma_semaphore, #tpu.memory_space<semaphore_mem>>) src(%arg7 : memref<4096xf32, #tpu.memory_space<hbm>>) dst(%arg15 : memref<4096xf32, #tpu.memory_space<vmem>>)
      tpu.yield
    }) : () -> ()
    "tpu.region"() ({
      %run_scoped3A = tpu.sem_alloc : memref<!tpu.dma_semaphore, #tpu.memory_space<semaphore_mem>>
      tpu.enqueue_dma source(%arg8 : memref<4096xf32, #tpu.memory_space<hbm>>) target(%arg16 : memref<4096xf32, #tpu.memory_space<vmem>>) target_semaphore(%run_scoped3A : memref<!tpu.dma_semaphore, #tpu.memory_space<semaphore_mem>>)
      tpu.wait_dma2 semaphore(%run_scoped3A : memref<!tpu.dma_semaphore, #tpu.memory_space<semaphore_mem>>) src(%arg8 : memref<4096xf32, #tpu.memory_space<hbm>>) dst(%arg16 : memref<4096xf32, #tpu.memory_space<vmem>>)
      tpu.yield
    }) : () -> ()
    %iota3A = tpu.iota {dimensions = array<i32: 0>} : vector<16xi32>
    %scan3A = arith.constant 0 : i32
    %scan3A_3 = arith.constant 0 : i32
    %scan3A_4 = arith.constant 64 : i32
    %scan3A_5 = arith.addi %scan3A_3, %scan3A_4 : i32
    %scan3A_6 = arith.constant 1 : i32
    scf.for %scan3A_31 = %scan3A_3 to %scan3A_5 step %scan3A_6  : i32 {
      %rem3A = arith.constant 16 : i32
      %rem3A_32 = arith.remsi %scan3A_31, %rem3A : i32
      %eq3A = arith.constant 0 : i32
      %eq3A_33 = arith.cmpi eq, %rem3A_32, %eq3A : i32
      %convert_element_type3A = arith.extui %eq3A_33 : i1 to i32
      %cond3A = arith.constant 0 : i32
      %cond3A_34 = arith.cmpi ne, %convert_element_type3A, %cond3A : i32
      scf.if %cond3A_34 {
        %div3A = arith.constant 16 : i32
        %div3A_436 = arith.divsi %scan3A_31, %div3A : i32
        %mul3A_437 = arith.constant 1024 : i32
        %mul3A_438 = arith.muli %div3A_436, %mul3A_437 : i32
        %add3A_439 = arith.addi %mul3A_2, %mul3A_438 : i32
        %mul3A_440 = arith.constant 8 : i32
        %mul3A_441 = arith.muli %add3A_439, %mul3A_440 : i32
        "tpu.region"() ({
          %run_scoped3A = tpu.sem_alloc : memref<!tpu.dma_semaphore, #tpu.memory_space<semaphore_mem>>
          %dma_start3A_442 = tpu.memref_slice %arg3[%mul3A_441] : memref<1048576xf32, #tpu.memory_space<hbm>> -> memref<8192xf32, #tpu.memory_space<hbm>>
          %dma_start3A_443 = tpu.memref_slice %arg3[%mul3A_441] : memref<1048576xf32, #tpu.memory_space<hbm>> -> memref<8192xf32, #tpu.memory_space<hbm>>
          tpu.enqueue_dma source(%dma_start3A_443 : memref<8192xf32, #tpu.memory_space<hbm>>) target(%arg11 : memref<8192xf32, #tpu.memory_space<vmem>>) target_semaphore(%run_scoped3A : memref<!tpu.dma_semaphore, #tpu.memory_space<semaphore_mem>>)
          %dma_wait3A_444 = tpu.memref_slice %arg3[%mul3A_441] : memref<1048576xf32, #tpu.memory_space<hbm>> -> memref<8192xf32, #tpu.memory_space<hbm>>
          %dma_wait3A_445 = tpu.memref_slice %arg3[%mul3A_441] : memref<1048576xf32, #tpu.memory_space<hbm>> -> memref<8192xf32, #tpu.memory_space<hbm>>
          tpu.wait_dma2 semaphore(%run_scoped3A : memref<!tpu.dma_semaphore, #tpu.memory_space<semaphore_mem>>) src(%dma_wait3A_445 : memref<8192xf32, #tpu.memory_space<hbm>>) dst(%arg11 : memref<8192xf32, #tpu.memory_space<vmem>>)
          tpu.yield
        }) : () -> ()
      } else {
      }
      %mul3A_35 = arith.constant 2 : i32
      %mul3A_36 = arith.muli %scan3A_31, %mul3A_35 : i32
      %add3A_37 = arith.constant 0 : i32
      %add3A_38 = arith.addi %mul3A_36, %add3A_37 : i32
      %mul3A_39 = arith.constant 32 : i32
      %mul3A_40 = arith.muli %add3A_38, %mul3A_39 : i32
      %rem3A_41 = arith.constant 32 : i32
      %rem3A_42 = arith.remsi %add3A_38, %rem3A_41 : i32
      %mul3A_43 = arith.constant 32 : i32
      %mul3A_44 = arith.muli %rem3A_42, %mul3A_43 : i32
      %add3A_45 = arith.constant 0 : i32
      %add3A_46 = arith.addi %mul3A_40, %add3A_45 : i32
      %get3A = arith.index_cast %add3A_46 : i32 to index
      %get3A_47 = tpu.vector_load %arg10[%get3A] {strides = array<i32>} : memref<4096xi32, #tpu.memory_space<vmem>>, vector<16xi32>,
      %mul3A_48 = arith.constant 257 : i32
      %mul3A_49 = vector.broadcast %mul3A_48 : i32 to vector<16xi32>
      %mul3A_50 = arith.muli %get3A_47, %mul3A_49 : vector<16xi32>
      %add3A_51 = arith.constant 0 : i32
      %add3A_52 = arith.addi %mul3A_44, %add3A_51 : i32
      %mul3A_53 = arith.constant 8 : i32
      %mul3A_54 = arith.muli %add3A_52, %mul3A_53 : i32
      %mul3A_55 = arith.constant 8 : i32
      %mul3A_56 = vector.broadcast %mul3A_55 : i32 to vector<16xi32>
      %mul3A_57 = arith.muli %iota3A, %mul3A_56 : vector<16xi32>
      %add3A_58 = vector.broadcast %mul3A_54 : i32 to vector<16xi32>
      %add3A_59 = arith.addi %add3A_58, %mul3A_57 : vector<16xi32>
      %add3A_60 = arith.constant 0 : i32
      %add3A_61 = vector.broadcast %add3A_60 : i32 to vector<16xi32>
      %add3A_62 = arith.addi %add3A_59, %add3A_61 : vector<16xi32>
      %gather3A = tpu.vector_load_idx %arg11[%add3A_62] : memref<8192xf32, #tpu.memory_space<vmem>>[vector<16xi32>], vector<16xf32>,
      %add3A_63 = arith.constant 1 : i32
      %add3A_64 = vector.broadcast %add3A_63 : i32 to vector<16xi32>
      %add3A_65 = arith.addi %add3A_59, %add3A_64 : vector<16xi32>
      %gather3A_66 = tpu.vector_load_idx %arg11[%add3A_65] : memref<8192xf32, #tpu.memory_space<vmem>>[vector<16xi32>], vector<16xf32>,
      %add3A_67 = arith.constant 2 : i32
      %add3A_68 = vector.broadcast %add3A_67 : i32 to vector<16xi32>
      %add3A_69 = arith.addi %add3A_59, %add3A_68 : vector<16xi32>
      %gather3A_70 = tpu.vector_load_idx %arg11[%add3A_69] : memref<8192xf32, #tpu.memory_space<vmem>>[vector<16xi32>], vector<16xf32>,
      %add3A_71 = arith.constant 3 : i32
      %add3A_72 = vector.broadcast %add3A_71 : i32 to vector<16xi32>
      %add3A_73 = arith.addi %add3A_59, %add3A_72 : vector<16xi32>
      %gather3A_74 = tpu.vector_load_idx %arg11[%add3A_73] : memref<8192xf32, #tpu.memory_space<vmem>>[vector<16xi32>], vector<16xf32>,
      %add3A_75 = arith.constant 4 : i32
      %add3A_76 = vector.broadcast %add3A_75 : i32 to vector<16xi32>
      %add3A_77 = arith.addi %add3A_59, %add3A_76 : vector<16xi32>
      %gather3A_78 = tpu.vector_load_idx %arg11[%add3A_77] : memref<8192xf32, #tpu.memory_space<vmem>>[vector<16xi32>], vector<16xf32>,
      %add3A_79 = arith.constant 16 : i32
      %add3A_80 = arith.addi %mul3A_40, %add3A_79 : i32
      %get3A_81 = arith.index_cast %add3A_80 : i32 to index
      %get3A_82 = tpu.vector_load %arg10[%get3A_81] {strides = array<i32>} : memref<4096xi32, #tpu.memory_space<vmem>>, vector<16xi32>,
      %mul3A_83 = arith.constant 257 : i32
      %mul3A_84 = vector.broadcast %mul3A_83 : i32 to vector<16xi32>
      %mul3A_85 = arith.muli %get3A_82, %mul3A_84 : vector<16xi32>
      %add3A_86 = arith.constant 16 : i32
      %add3A_87 = arith.addi %mul3A_44, %add3A_86 : i32
      %mul3A_88 = arith.constant 8 : i32
      %mul3A_89 = arith.muli %add3A_87, %mul3A_88 : i32
      %mul3A_90 = arith.constant 8 : i32
      %mul3A_91 = vector.broadcast %mul3A_90 : i32 to vector<16xi32>
      %mul3A_92 = arith.muli %iota3A, %mul3A_91 : vector<16xi32>
      %add3A_93 = vector.broadcast %mul3A_89 : i32 to vector<16xi32>
      %add3A_94 = arith.addi %add3A_93, %mul3A_92 : vector<16xi32>
      %add3A_95 = arith.constant 0 : i32
      %add3A_96 = vector.broadcast %add3A_95 : i32 to vector<16xi32>
      %add3A_97 = arith.addi %add3A_94, %add3A_96 : vector<16xi32>
      %gather3A_98 = tpu.vector_load_idx %arg11[%add3A_97] : memref<8192xf32, #tpu.memory_space<vmem>>[vector<16xi32>], vector<16xf32>,
      %add3A_99 = arith.constant 1 : i32
      %add3A_100 = vector.broadcast %add3A_99 : i32 to vector<16xi32>
      %add3A_101 = arith.addi %add3A_94, %add3A_100 : vector<16xi32>
      %gather3A_102 = tpu.vector_load_idx %arg11[%add3A_101] : memref<8192xf32, #tpu.memory_space<vmem>>[vector<16xi32>], vector<16xf32>,
      %add3A_103 = arith.constant 2 : i32
      %add3A_104 = vector.broadcast %add3A_103 : i32 to vector<16xi32>
      %add3A_105 = arith.addi %add3A_94, %add3A_104 : vector<16xi32>
      %gather3A_106 = tpu.vector_load_idx %arg11[%add3A_105] : memref<8192xf32, #tpu.memory_space<vmem>>[vector<16xi32>], vector<16xf32>,
      %add3A_107 = arith.constant 3 : i32
      %add3A_108 = vector.broadcast %add3A_107 : i32 to vector<16xi32>
      %add3A_109 = arith.addi %add3A_94, %add3A_108 : vector<16xi32>
      %gather3A_110 = tpu.vector_load_idx %arg11[%add3A_109] : memref<8192xf32, #tpu.memory_space<vmem>>[vector<16xi32>], vector<16xf32>,
      %add3A_111 = arith.constant 4 : i32
      %add3A_112 = vector.broadcast %add3A_111 : i32 to vector<16xi32>
      %add3A_113 = arith.addi %add3A_94, %add3A_112 : vector<16xi32>
      %gather3A_114 = tpu.vector_load_idx %arg11[%add3A_113] : memref<8192xf32, #tpu.memory_space<vmem>>[vector<16xi32>], vector<16xf32>,
      %broadcast_in_dim3A = arith.constant 0.000000e+00 : f32
      %broadcast_in_dim3A_115 = vector.broadcast %broadcast_in_dim3A : f32 to vector<16xf32>
      %parallel_loop3A = arith.constant 0 : i32
      %parallel_loop3A_116 = arith.constant 256 : i32
      %parallel_loop3A_117 = arith.constant 2 : i32
      %parallel_loop3A_118:4 = scf.for %parallel_loop3A_436 = %parallel_loop3A to %parallel_loop3A_116 step %parallel_loop3A_117 iter_args(%parallel_loop3A_437 = %broadcast_in_dim3A_115, %parallel_loop3A_438 = %broadcast_in_dim3A_115, %parallel_loop3A_439 = %broadcast_in_dim3A_115, %parallel_loop3A_440 = %broadcast_in_dim3A_115) -> (vector<16xf32>, vector<16xf32>, vector<16xf32>, vector<16xf32>)  : i32 {
        %parallel_loop3A_441 = arith.constant 0 : i32
        %parallel_loop3A_442 = arith.addi %parallel_loop3A_436, %parallel_loop3A_441 : i32
        %parallel_loop3A_443 = arith.constant 16 : i32
        %parallel_loop3A_444 = arith.muli %parallel_loop3A_442, %parallel_loop3A_443 : i32
        %parallel_loop3A_445 = arith.constant 0 : i32
        %parallel_loop3A_446 = arith.addi %parallel_loop3A_445, %parallel_loop3A_444 : i32
        %parallel_loop3A_447 = arith.index_cast %parallel_loop3A_446 : i32 to index
        %parallel_loop3A_448 = tpu.vector_load %arg13[%parallel_loop3A_447] {strides = array<i32>} : memref<20480xf32, #tpu.memory_space<vmem>>, vector<16xf32>,
        %parallel_loop3A_449 = arith.constant 16 : i32
        %parallel_loop3A_450 = arith.muli %parallel_loop3A_442, %parallel_loop3A_449 : i32
        %parallel_loop3A_451 = arith.constant 4096 : i32
        %parallel_loop3A_452 = arith.addi %parallel_loop3A_451, %parallel_loop3A_450 : i32
        %parallel_loop3A_453 = arith.index_cast %parallel_loop3A_452 : i32 to index
        %parallel_loop3A_454 = tpu.vector_load %arg13[%parallel_loop3A_453] {strides = array<i32>} : memref<20480xf32, #tpu.memory_space<vmem>>, vector<16xf32>,
        %parallel_loop3A_455 = arith.constant 16 : i32
        %parallel_loop3A_456 = arith.muli %parallel_loop3A_442, %parallel_loop3A_455 : i32
        %parallel_loop3A_457 = arith.constant 8192 : i32
        %parallel_loop3A_458 = arith.addi %parallel_loop3A_457, %parallel_loop3A_456 : i32
        %parallel_loop3A_459 = arith.index_cast %parallel_loop3A_458 : i32 to index
        %parallel_loop3A_460 = tpu.vector_load %arg13[%parallel_loop3A_459] {strides = array<i32>} : memref<20480xf32, #tpu.memory_space<vmem>>, vector<16xf32>,
        %parallel_loop3A_461 = arith.constant 16 : i32
        %parallel_loop3A_462 = arith.muli %parallel_loop3A_442, %parallel_loop3A_461 : i32
        %parallel_loop3A_463 = arith.constant 12288 : i32
        %parallel_loop3A_464 = arith.addi %parallel_loop3A_463, %parallel_loop3A_462 : i32
        %parallel_loop3A_465 = arith.index_cast %parallel_loop3A_464 : i32 to index
        %parallel_loop3A_466 = tpu.vector_load %arg13[%parallel_loop3A_465] {strides = array<i32>} : memref<20480xf32, #tpu.memory_space<vmem>>, vector<16xf32>,
        %parallel_loop3A_467 = arith.constant 16 : i32
        %parallel_loop3A_468 = arith.muli %parallel_loop3A_442, %parallel_loop3A_467 : i32
        %parallel_loop3A_469 = arith.constant 16384 : i32
        %parallel_loop3A_470 = arith.addi %parallel_loop3A_469, %parallel_loop3A_468 : i32
        %parallel_loop3A_471 = arith.index_cast %parallel_loop3A_470 : i32 to index
        %parallel_loop3A_472 = tpu.vector_load %arg13[%parallel_loop3A_471] {strides = array<i32>} : memref<20480xf32, #tpu.memory_space<vmem>>, vector<16xf32>,
        %parallel_loop3A_473 = arith.constant 16 : i32
        %parallel_loop3A_474 = arith.muli %parallel_loop3A_442, %parallel_loop3A_473 : i32
        %parallel_loop3A_475 = arith.index_cast %parallel_loop3A_474 : i32 to index
        %parallel_loop3A_476 = tpu.vector_load %arg14[%parallel_loop3A_475] {strides = array<i32>} : memref<4096xf32, #tpu.memory_space<vmem>>, vector<16xf32>,
        %parallel_loop3A_477 = vector.broadcast %parallel_loop3A_442 : i32 to vector<16xi32>
        %parallel_loop3A_478 = arith.addi %mul3A_50, %parallel_loop3A_477 : vector<16xi32>
        %parallel_loop3A_479 = tpu.vector_load_idx %arg12[%parallel_loop3A_478] : memref<8224xf32, #tpu.memory_space<vmem>>[vector<16xi32>], vector<16xf32>,
        %parallel_loop3A_480 = arith.addf %parallel_loop3A_479, %parallel_loop3A_476 : vector<16xf32>
        %parallel_loop3A_481 = arith.mulf %gather3A, %parallel_loop3A_448 : vector<16xf32>
        %parallel_loop3A_482 = arith.mulf %gather3A_66, %parallel_loop3A_454 : vector<16xf32>
        %parallel_loop3A_483 = arith.addf %parallel_loop3A_481, %parallel_loop3A_482 : vector<16xf32>
        %parallel_loop3A_484 = arith.mulf %gather3A_70, %parallel_loop3A_460 : vector<16xf32>
        %parallel_loop3A_485 = arith.mulf %gather3A_74, %parallel_loop3A_466 : vector<16xf32>
        %parallel_loop3A_486 = arith.addf %parallel_loop3A_484, %parallel_loop3A_485 : vector<16xf32>
        %parallel_loop3A_487 = arith.mulf %gather3A_78, %parallel_loop3A_472 : vector<16xf32>
        %parallel_loop3A_488 = arith.addf %parallel_loop3A_480, %parallel_loop3A_487 : vector<16xf32>
        %parallel_loop3A_489 = arith.addf %parallel_loop3A_483, %parallel_loop3A_486 : vector<16xf32>
        %parallel_loop3A_490 = arith.addf %parallel_loop3A_488, %parallel_loop3A_489 : vector<16xf32>
        %parallel_loop3A_491 = arith.constant 32 : i32
        %parallel_loop3A_492 = arith.muli %parallel_loop3A_442, %parallel_loop3A_491 : i32
        %parallel_loop3A_493 = arith.constant 0 : i32
        %parallel_loop3A_494 = arith.addi %parallel_loop3A_492, %parallel_loop3A_493 : i32
        %parallel_loop3A_495 = arith.index_cast %parallel_loop3A_494 : i32 to index
        %parallel_loop3A_496 = tpu.vector_load %arg17[%parallel_loop3A_495] {strides = array<i32>} : memref<8192xf32, #tpu.memory_space<vmem>>, vector<16xf32>,
        tpu.vector_store %arg17[%parallel_loop3A_495], %parallel_loop3A_490 {strides = array<i32>} : memref<8192xf32, #tpu.memory_space<vmem>>, vector<16xf32>,
        %parallel_loop3A_497 = arith.mulf %parallel_loop3A_490, %parallel_loop3A_490 : vector<16xf32>
        %parallel_loop3A_498 = arith.addf %parallel_loop3A_437, %parallel_loop3A_497 : vector<16xf32>
        %parallel_loop3A_499 = vector.broadcast %parallel_loop3A_442 : i32 to vector<16xi32>
        %parallel_loop3A_500 = arith.addi %mul3A_85, %parallel_loop3A_499 : vector<16xi32>
        %parallel_loop3A_501 = tpu.vector_load_idx %arg12[%parallel_loop3A_500] : memref<8224xf32, #tpu.memory_space<vmem>>[vector<16xi32>], vector<16xf32>,
        %parallel_loop3A_502 = arith.addf %parallel_loop3A_501, %parallel_loop3A_476 : vector<16xf32>
        %parallel_loop3A_503 = arith.mulf %gather3A_98, %parallel_loop3A_448 : vector<16xf32>
        %parallel_loop3A_504 = arith.mulf %gather3A_102, %parallel_loop3A_454 : vector<16xf32>
        %parallel_loop3A_505 = arith.addf %parallel_loop3A_503, %parallel_loop3A_504 : vector<16xf32>
        %parallel_loop3A_506 = arith.mulf %gather3A_106, %parallel_loop3A_460 : vector<16xf32>
        %parallel_loop3A_507 = arith.mulf %gather3A_110, %parallel_loop3A_466 : vector<16xf32>
        %parallel_loop3A_508 = arith.addf %parallel_loop3A_506, %parallel_loop3A_507 : vector<16xf32>
        %parallel_loop3A_509 = arith.mulf %gather3A_114, %parallel_loop3A_472 : vector<16xf32>
        %parallel_loop3A_510 = arith.addf %parallel_loop3A_502, %parallel_loop3A_509 : vector<16xf32>
        %parallel_loop3A_511 = arith.addf %parallel_loop3A_505, %parallel_loop3A_508 : vector<16xf32>
        %parallel_loop3A_512 = arith.addf %parallel_loop3A_510, %parallel_loop3A_511 : vector<16xf32>
        %parallel_loop3A_513 = arith.constant 32 : i32
        %parallel_loop3A_514 = arith.muli %parallel_loop3A_442, %parallel_loop3A_513 : i32
        %parallel_loop3A_515 = arith.constant 16 : i32
        %parallel_loop3A_516 = arith.addi %parallel_loop3A_514, %parallel_loop3A_515 : i32
        %parallel_loop3A_517 = arith.index_cast %parallel_loop3A_516 : i32 to index
        %parallel_loop3A_518 = tpu.vector_load %arg17[%parallel_loop3A_517] {strides = array<i32>} : memref<8192xf32, #tpu.memory_space<vmem>>, vector<16xf32>,
        tpu.vector_store %arg17[%parallel_loop3A_517], %parallel_loop3A_512 {strides = array<i32>} : memref<8192xf32, #tpu.memory_space<vmem>>, vector<16xf32>,
        %parallel_loop3A_519 = arith.mulf %parallel_loop3A_512, %parallel_loop3A_512 : vector<16xf32>
        %parallel_loop3A_520 = arith.addf %parallel_loop3A_438, %parallel_loop3A_519 : vector<16xf32>
        %parallel_loop3A_521 = arith.constant 1 : i32
        %parallel_loop3A_522 = arith.addi %parallel_loop3A_436, %parallel_loop3A_521 : i32
        %parallel_loop3A_523 = arith.constant 16 : i32
        %parallel_loop3A_524 = arith.muli %parallel_loop3A_522, %parallel_loop3A_523 : i32
        %parallel_loop3A_525 = arith.constant 0 : i32
        %parallel_loop3A_526 = arith.addi %parallel_loop3A_525, %parallel_loop3A_524 : i32
        %parallel_loop3A_527 = arith.index_cast %parallel_loop3A_526 : i32 to index
        %parallel_loop3A_528 = tpu.vector_load %arg13[%parallel_loop3A_527] {strides = array<i32>} : memref<20480xf32, #tpu.memory_space<vmem>>, vector<16xf32>,
        %parallel_loop3A_529 = arith.constant 16 : i32
        %parallel_loop3A_530 = arith.muli %parallel_loop3A_522, %parallel_loop3A_529 : i32
        %parallel_loop3A_531 = arith.constant 4096 : i32
        %parallel_loop3A_532 = arith.addi %parallel_loop3A_531, %parallel_loop3A_530 : i32
        %parallel_loop3A_533 = arith.index_cast %parallel_loop3A_532 : i32 to index
        %parallel_loop3A_534 = tpu.vector_load %arg13[%parallel_loop3A_533] {strides = array<i32>} : memref<20480xf32, #tpu.memory_space<vmem>>, vector<16xf32>,
        %parallel_loop3A_535 = arith.constant 16 : i32
        %parallel_loop3A_536 = arith.muli %parallel_loop3A_522, %parallel_loop3A_535 : i32
        %parallel_loop3A_537 = arith.constant 8192 : i32
        %parallel_loop3A_538 = arith.addi %parallel_loop3A_537, %parallel_loop3A_536 : i32
        %parallel_loop3A_539 = arith.index_cast %parallel_loop3A_538 : i32 to index
        %parallel_loop3A_540 = tpu.vector_load %arg13[%parallel_loop3A_539] {strides = array<i32>} : memref<20480xf32, #tpu.memory_space<vmem>>, vector<16xf32>,
        %parallel_loop3A_541 = arith.constant 16 : i32
        %parallel_loop3A_542 = arith.muli %parallel_loop3A_522, %parallel_loop3A_541 : i32
        %parallel_loop3A_543 = arith.constant 12288 : i32
        %parallel_loop3A_544 = arith.addi %parallel_loop3A_543, %parallel_loop3A_542 : i32
        %parallel_loop3A_545 = arith.index_cast %parallel_loop3A_544 : i32 to index
        %parallel_loop3A_546 = tpu.vector_load %arg13[%parallel_loop3A_545] {strides = array<i32>} : memref<20480xf32, #tpu.memory_space<vmem>>, vector<16xf32>,
        %parallel_loop3A_547 = arith.constant 16 : i32
        %parallel_loop3A_548 = arith.muli %parallel_loop3A_522, %parallel_loop3A_547 : i32
        %parallel_loop3A_549 = arith.constant 16384 : i32
        %parallel_loop3A_550 = arith.addi %parallel_loop3A_549, %parallel_loop3A_548 : i32
        %parallel_loop3A_551 = arith.index_cast %parallel_loop3A_550 : i32 to index
        %parallel_loop3A_552 = tpu.vector_load %arg13[%parallel_loop3A_551] {strides = array<i32>} : memref<20480xf32, #tpu.memory_space<vmem>>, vector<16xf32>,
        %parallel_loop3A_553 = arith.constant 16 : i32
        %parallel_loop3A_554 = arith.muli %parallel_loop3A_522, %parallel_loop3A_553 : i32
        %parallel_loop3A_555 = arith.index_cast %parallel_loop3A_554 : i32 to index
        %parallel_loop3A_556 = tpu.vector_load %arg14[%parallel_loop3A_555] {strides = array<i32>} : memref<4096xf32, #tpu.memory_space<vmem>>, vector<16xf32>,
        %parallel_loop3A_557 = vector.broadcast %parallel_loop3A_522 : i32 to vector<16xi32>
        %parallel_loop3A_558 = arith.addi %mul3A_50, %parallel_loop3A_557 : vector<16xi32>
        %parallel_loop3A_559 = tpu.vector_load_idx %arg12[%parallel_loop3A_558] : memref<8224xf32, #tpu.memory_space<vmem>>[vector<16xi32>], vector<16xf32>,
        %parallel_loop3A_560 = arith.addf %parallel_loop3A_559, %parallel_loop3A_556 : vector<16xf32>
        %parallel_loop3A_561 = arith.mulf %gather3A, %parallel_loop3A_528 : vector<16xf32>
        %parallel_loop3A_562 = arith.mulf %gather3A_66, %parallel_loop3A_534 : vector<16xf32>
        %parallel_loop3A_563 = arith.addf %parallel_loop3A_561, %parallel_loop3A_562 : vector<16xf32>
        %parallel_loop3A_564 = arith.mulf %gather3A_70, %parallel_loop3A_540 : vector<16xf32>
        %parallel_loop3A_565 = arith.mulf %gather3A_74, %parallel_loop3A_546 : vector<16xf32>
        %parallel_loop3A_566 = arith.addf %parallel_loop3A_564, %parallel_loop3A_565 : vector<16xf32>
        %parallel_loop3A_567 = arith.mulf %gather3A_78, %parallel_loop3A_552 : vector<16xf32>
        %parallel_loop3A_568 = arith.addf %parallel_loop3A_560, %parallel_loop3A_567 : vector<16xf32>
        %parallel_loop3A_569 = arith.addf %parallel_loop3A_563, %parallel_loop3A_566 : vector<16xf32>
        %parallel_loop3A_570 = arith.addf %parallel_loop3A_568, %parallel_loop3A_569 : vector<16xf32>
        %parallel_loop3A_571 = arith.constant 32 : i32
        %parallel_loop3A_572 = arith.muli %parallel_loop3A_522, %parallel_loop3A_571 : i32
        %parallel_loop3A_573 = arith.constant 0 : i32
        %parallel_loop3A_574 = arith.addi %parallel_loop3A_572, %parallel_loop3A_573 : i32
        %parallel_loop3A_575 = arith.index_cast %parallel_loop3A_574 : i32 to index
        %parallel_loop3A_576 = tpu.vector_load %arg17[%parallel_loop3A_575] {strides = array<i32>} : memref<8192xf32, #tpu.memory_space<vmem>>, vector<16xf32>,
        tpu.vector_store %arg17[%parallel_loop3A_575], %parallel_loop3A_570 {strides = array<i32>} : memref<8192xf32, #tpu.memory_space<vmem>>, vector<16xf32>,
        %parallel_loop3A_577 = arith.mulf %parallel_loop3A_570, %parallel_loop3A_570 : vector<16xf32>
        %parallel_loop3A_578 = arith.addf %parallel_loop3A_439, %parallel_loop3A_577 : vector<16xf32>
        %parallel_loop3A_579 = vector.broadcast %parallel_loop3A_522 : i32 to vector<16xi32>
        %parallel_loop3A_580 = arith.addi %mul3A_85, %parallel_loop3A_579 : vector<16xi32>
        %parallel_loop3A_581 = tpu.vector_load_idx %arg12[%parallel_loop3A_580] : memref<8224xf32, #tpu.memory_space<vmem>>[vector<16xi32>], vector<16xf32>,
        %parallel_loop3A_582 = arith.addf %parallel_loop3A_581, %parallel_loop3A_556 : vector<16xf32>
        %parallel_loop3A_583 = arith.mulf %gather3A_98, %parallel_loop3A_528 : vector<16xf32>
        %parallel_loop3A_584 = arith.mulf %gather3A_102, %parallel_loop3A_534 : vector<16xf32>
        %parallel_loop3A_585 = arith.addf %parallel_loop3A_583, %parallel_loop3A_584 : vector<16xf32>
        %parallel_loop3A_586 = arith.mulf %gather3A_106, %parallel_loop3A_540 : vector<16xf32>
        %parallel_loop3A_587 = arith.mulf %gather3A_110, %parallel_loop3A_546 : vector<16xf32>
        %parallel_loop3A_588 = arith.addf %parallel_loop3A_586, %parallel_loop3A_587 : vector<16xf32>
        %parallel_loop3A_589 = arith.mulf %gather3A_114, %parallel_loop3A_552 : vector<16xf32>
        %parallel_loop3A_590 = arith.addf %parallel_loop3A_582, %parallel_loop3A_589 : vector<16xf32>
        %parallel_loop3A_591 = arith.addf %parallel_loop3A_585, %parallel_loop3A_588 : vector<16xf32>
        %parallel_loop3A_592 = arith.addf %parallel_loop3A_590, %parallel_loop3A_591 : vector<16xf32>
        %parallel_loop3A_593 = arith.constant 32 : i32
        %parallel_loop3A_594 = arith.muli %parallel_loop3A_522, %parallel_loop3A_593 : i32
        %parallel_loop3A_595 = arith.constant 16 : i32
        %parallel_loop3A_596 = arith.addi %parallel_loop3A_594, %parallel_loop3A_595 : i32
        %parallel_loop3A_597 = arith.index_cast %parallel_loop3A_596 : i32 to index
        %parallel_loop3A_598 = tpu.vector_load %arg17[%parallel_loop3A_597] {strides = array<i32>} : memref<8192xf32, #tpu.memory_space<vmem>>, vector<16xf32>,
        tpu.vector_store %arg17[%parallel_loop3A_597], %parallel_loop3A_592 {strides = array<i32>} : memref<8192xf32, #tpu.memory_space<vmem>>, vector<16xf32>,
        %parallel_loop3A_599 = arith.mulf %parallel_loop3A_592, %parallel_loop3A_592 : vector<16xf32>
        %parallel_loop3A_600 = arith.addf %parallel_loop3A_440, %parallel_loop3A_599 : vector<16xf32>
        scf.yield %parallel_loop3A_498, %parallel_loop3A_520, %parallel_loop3A_578, %parallel_loop3A_600 : vector<16xf32>, vector<16xf32>, vector<16xf32>, vector<16xf32>
      } {sc.loop_unroll_factor = 2 : i64, sc.parallel_access}
      %add3A_119 = arith.addf %parallel_loop3A_118#0, %parallel_loop3A_118#2 : vector<16xf32>
      %mul3A_120 = arith.constant 3.906250e-03 : f32
      %mul3A_121 = vector.broadcast %mul3A_120 : f32 to vector<16xf32>
      %mul3A_122 = arith.mulf %add3A_119, %mul3A_121 : vector<16xf32>
      %add3A_123 = arith.constant 9.99999974E-6 : f32
      %add3A_124 = vector.broadcast %add3A_123 : f32 to vector<16xf32>
      %add3A_125 = arith.addf %mul3A_122, %add3A_124 : vector<16xf32>
      %bitcast3A = vector.bitcast %add3A_125 : vector<16xf32> to vector<16xi32>
      %shift_right_arithmetic3A = arith.constant 1 : i32
      %shift_right_arithmetic3A_126 = vector.broadcast %shift_right_arithmetic3A : i32 to vector<16xi32>
      %shift_right_arithmetic3A_127 = arith.shrsi %bitcast3A, %shift_right_arithmetic3A_126 : vector<16xi32>
      %sub3A = arith.constant 1597463007 : i32
      %sub3A_128 = vector.broadcast %sub3A : i32 to vector<16xi32>
      %sub3A_129 = arith.subi %sub3A_128, %shift_right_arithmetic3A_127 : vector<16xi32>
      %bitcast3A_130 = vector.bitcast %sub3A_129 : vector<16xi32> to vector<16xf32>
      %mul3A_131 = arith.constant 5.000000e-01 : f32
      %mul3A_132 = vector.broadcast %mul3A_131 : f32 to vector<16xf32>
      %mul3A_133 = arith.mulf %mul3A_132, %add3A_125 : vector<16xf32>
      %mul3A_134 = arith.mulf %mul3A_133, %bitcast3A_130 : vector<16xf32>
      %mul3A_135 = arith.mulf %mul3A_134, %bitcast3A_130 : vector<16xf32>
      %sub3A_136 = arith.constant 1.500000e+00 : f32
      %sub3A_137 = vector.broadcast %sub3A_136 : f32 to vector<16xf32>
      %sub3A_138 = arith.subf %sub3A_137, %mul3A_135 : vector<16xf32>
      %mul3A_139 = arith.mulf %bitcast3A_130, %sub3A_138 : vector<16xf32>
      %mul3A_140 = arith.constant 5.000000e-01 : f32
      %mul3A_141 = vector.broadcast %mul3A_140 : f32 to vector<16xf32>
      %mul3A_142 = arith.mulf %mul3A_141, %add3A_125 : vector<16xf32>
      %mul3A_143 = arith.mulf %mul3A_142, %mul3A_139 : vector<16xf32>
      %mul3A_144 = arith.mulf %mul3A_143, %mul3A_139 : vector<16xf32>
      %sub3A_145 = arith.constant 1.500000e+00 : f32
      %sub3A_146 = vector.broadcast %sub3A_145 : f32 to vector<16xf32>
      %sub3A_147 = arith.subf %sub3A_146, %mul3A_144 : vector<16xf32>
      %mul3A_148 = arith.mulf %mul3A_139, %sub3A_147 : vector<16xf32>
      %mul3A_149 = arith.constant 5.000000e-01 : f32
      %mul3A_150 = vector.broadcast %mul3A_149 : f32 to vector<16xf32>
      %mul3A_151 = arith.mulf %mul3A_150, %add3A_125 : vector<16xf32>
      %mul3A_152 = arith.mulf %mul3A_151, %mul3A_148 : vector<16xf32>
      %mul3A_153 = arith.mulf %mul3A_152, %mul3A_148 : vector<16xf32>
      %sub3A_154 = arith.constant 1.500000e+00 : f32
      %sub3A_155 = vector.broadcast %sub3A_154 : f32 to vector<16xf32>
      %sub3A_156 = arith.subf %sub3A_155, %mul3A_153 : vector<16xf32>
      %mul3A_157 = arith.mulf %mul3A_148, %sub3A_156 : vector<16xf32>
      %add3A_158 = arith.addf %parallel_loop3A_118#1, %parallel_loop3A_118#3 : vector<16xf32>
      %mul3A_159 = arith.constant 3.906250e-03 : f32
      %mul3A_160 = vector.broadcast %mul3A_159 : f32 to vector<16xf32>
      %mul3A_161 = arith.mulf %add3A_158, %mul3A_160 : vector<16xf32>
      %add3A_162 = arith.constant 9.99999974E-6 : f32
      %add3A_163 = vector.broadcast %add3A_162 : f32 to vector<16xf32>
      %add3A_164 = arith.addf %mul3A_161, %add3A_163 : vector<16xf32>
      %bitcast3A_165 = vector.bitcast %add3A_164 : vector<16xf32> to vector<16xi32>
      %shift_right_arithmetic3A_166 = arith.constant 1 : i32
      %shift_right_arithmetic3A_167 = vector.broadcast %shift_right_arithmetic3A_166 : i32 to vector<16xi32>
      %shift_right_arithmetic3A_168 = arith.shrsi %bitcast3A_165, %shift_right_arithmetic3A_167 : vector<16xi32>
      %sub3A_169 = arith.constant 1597463007 : i32
      %sub3A_170 = vector.broadcast %sub3A_169 : i32 to vector<16xi32>
      %sub3A_171 = arith.subi %sub3A_170, %shift_right_arithmetic3A_168 : vector<16xi32>
      %bitcast3A_172 = vector.bitcast %sub3A_171 : vector<16xi32> to vector<16xf32>
      %mul3A_173 = arith.constant 5.000000e-01 : f32
      %mul3A_174 = vector.broadcast %mul3A_173 : f32 to vector<16xf32>
      %mul3A_175 = arith.mulf %mul3A_174, %add3A_164 : vector<16xf32>
      %mul3A_176 = arith.mulf %mul3A_175, %bitcast3A_172 : vector<16xf32>
      %mul3A_177 = arith.mulf %mul3A_176, %bitcast3A_172 : vector<16xf32>
      %sub3A_178 = arith.constant 1.500000e+00 : f32
      %sub3A_179 = vector.broadcast %sub3A_178 : f32 to vector<16xf32>
      %sub3A_180 = arith.subf %sub3A_179, %mul3A_177 : vector<16xf32>
      %mul3A_181 = arith.mulf %bitcast3A_172, %sub3A_180 : vector<16xf32>
      %mul3A_182 = arith.constant 5.000000e-01 : f32
      %mul3A_183 = vector.broadcast %mul3A_182 : f32 to vector<16xf32>
      %mul3A_184 = arith.mulf %mul3A_183, %add3A_164 : vector<16xf32>
      %mul3A_185 = arith.mulf %mul3A_184, %mul3A_181 : vector<16xf32>
      %mul3A_186 = arith.mulf %mul3A_185, %mul3A_181 : vector<16xf32>
      %sub3A_187 = arith.constant 1.500000e+00 : f32
      %sub3A_188 = vector.broadcast %sub3A_187 : f32 to vector<16xf32>
      %sub3A_189 = arith.subf %sub3A_188, %mul3A_186 : vector<16xf32>
      %mul3A_190 = arith.mulf %mul3A_181, %sub3A_189 : vector<16xf32>
      %mul3A_191 = arith.constant 5.000000e-01 : f32
      %mul3A_192 = vector.broadcast %mul3A_191 : f32 to vector<16xf32>
      %mul3A_193 = arith.mulf %mul3A_192, %add3A_164 : vector<16xf32>
      %mul3A_194 = arith.mulf %mul3A_193, %mul3A_190 : vector<16xf32>
      %mul3A_195 = arith.mulf %mul3A_194, %mul3A_190 : vector<16xf32>
      %sub3A_196 = arith.constant 1.500000e+00 : f32
      %sub3A_197 = vector.broadcast %sub3A_196 : f32 to vector<16xf32>
      %sub3A_198 = arith.subf %sub3A_197, %mul3A_195 : vector<16xf32>
      %mul3A_199 = arith.mulf %mul3A_190, %sub3A_198 : vector<16xf32>
      %add3A_200 = arith.constant 0 : i32
      %add3A_201 = vector.broadcast %add3A_200 : i32 to vector<16xi32>
      %add3A_202 = arith.addi %add3A_201, %iota3A : vector<16xi32>
      %add3A_203 = arith.constant 0 : i32
      %add3A_204 = vector.broadcast %add3A_203 : i32 to vector<16xi32>
      %add3A_205 = arith.addi %add3A_202, %add3A_204 : vector<16xi32>
      %add3A_206 = arith.constant 0 : i32
      %add3A_207 = vector.broadcast %add3A_206 : i32 to vector<16xi32>
      %add3A_208 = arith.addi %add3A_207, %iota3A : vector<16xi32>
      %add3A_209 = arith.constant 16 : i32
      %add3A_210 = vector.broadcast %add3A_209 : i32 to vector<16xi32>
      %add3A_211 = arith.addi %add3A_208, %add3A_210 : vector<16xi32>
      %gt3A = arith.constant 0 : i32
      %gt3A_212 = arith.cmpi sgt, %scan3A_31, %gt3A : i32
      %convert_element_type3A_213 = arith.extui %gt3A_212 : i1 to i32
      %cond3A_214 = arith.constant 0 : i32
      %cond3A_215 = arith.cmpi ne, %convert_element_type3A_213, %cond3A_214 : i32
      scf.if %cond3A_215 {
        %sub3A_436 = arith.constant 2 : i32
        %sub3A_437 = arith.subi %add3A_38, %sub3A_436 : i32
        %mul3A_438 = arith.constant 32 : i32
        %mul3A_439 = arith.muli %sub3A_437, %mul3A_438 : i32
        %add3A_440 = arith.addi %mul3A_2, %mul3A_439 : i32
        %dma_wait3A_441 = arith.constant 0 : i32
        %dma_wait3A_442 = arith.constant 0 : i32
        %dma_wait3A_443 = tpu.memref_slice %arg18[%dma_wait3A_441, %dma_wait3A_442] : memref<64x257xf32, #tpu.memory_space<vmem>> -> memref<32x256xf32, #tpu.memory_space<vmem>>
        %dma_wait3A_444 = arith.constant 0 : i32
        %dma_wait3A_445 = tpu.memref_slice %arg9[%add3A_440, %dma_wait3A_444] : memref<131072x256xf32, #tpu.memory_space<hbm>> -> memref<32x256xf32, #tpu.memory_space<hbm>>
        %dma_wait3A_446 = arith.constant 0 : i32
        %dma_wait3A_447 = tpu.memref_slice %arg9[%add3A_440, %dma_wait3A_446] : memref<131072x256xf32, #tpu.memory_space<hbm>> -> memref<32x256xf32, #tpu.memory_space<hbm>>
        %dma_wait3A_448 = arith.constant 0 : i32
        %dma_wait3A_449 = arith.constant 0 : i32
        %dma_wait3A_450 = tpu.memref_slice %arg18[%dma_wait3A_448, %dma_wait3A_449] : memref<64x257xf32, #tpu.memory_space<vmem>> -> memref<32x256xf32, #tpu.memory_space<vmem>>
        tpu.wait_dma2 semaphore(%arg19 : memref<!tpu.dma_semaphore, #tpu.memory_space<semaphore_mem>>) src(%dma_wait3A_450 : memref<32x256xf32, #tpu.memory_space<vmem>>) dst(%dma_wait3A_447 : memref<32x256xf32, #tpu.memory_space<hbm>>)
      } else {
      }
      %parallel_loop3A_216 = arith.constant 0 : i32
      %parallel_loop3A_217 = arith.constant 256 : i32
      %parallel_loop3A_218 = arith.constant 1 : i32
      %parallel_loop3A_219 = arith.constant 0 : i32
      %parallel_loop3A_220 = scf.for %parallel_loop3A_436 = %parallel_loop3A_216 to %parallel_loop3A_217 step %parallel_loop3A_218 iter_args(%parallel_loop3A_437 = %parallel_loop3A_219) -> (i32)  : i32 {
        %parallel_loop3A_438 = arith.constant 16 : i32
        %parallel_loop3A_439 = arith.muli %parallel_loop3A_436, %parallel_loop3A_438 : i32
        %parallel_loop3A_440 = arith.index_cast %parallel_loop3A_439 : i32 to index
        %parallel_loop3A_441 = tpu.vector_load %arg15[%parallel_loop3A_440] {strides = array<i32>} : memref<4096xf32, #tpu.memory_space<vmem>>, vector<16xf32>,
        %parallel_loop3A_442 = arith.constant 16 : i32
        %parallel_loop3A_443 = arith.muli %parallel_loop3A_436, %parallel_loop3A_442 : i32
        %parallel_loop3A_444 = arith.index_cast %parallel_loop3A_443 : i32 to index
        %parallel_loop3A_445 = tpu.vector_load %arg16[%parallel_loop3A_444] {strides = array<i32>} : memref<4096xf32, #tpu.memory_space<vmem>>, vector<16xf32>,
        %parallel_loop3A_446 = vector.broadcast %parallel_loop3A_436 : i32 to vector<16xi32>
        %parallel_loop3A_447 = arith.constant 32 : i32
        %parallel_loop3A_448 = arith.muli %parallel_loop3A_436, %parallel_loop3A_447 : i32
        %parallel_loop3A_449 = arith.constant 0 : i32
        %parallel_loop3A_450 = arith.addi %parallel_loop3A_448, %parallel_loop3A_449 : i32
        %parallel_loop3A_451 = arith.index_cast %parallel_loop3A_450 : i32 to index
        %parallel_loop3A_452 = tpu.vector_load %arg17[%parallel_loop3A_451] {strides = array<i32>} : memref<8192xf32, #tpu.memory_space<vmem>>, vector<16xf32>,
        %parallel_loop3A_453 = arith.mulf %parallel_loop3A_452, %mul3A_157 : vector<16xf32>
        %parallel_loop3A_454 = arith.mulf %parallel_loop3A_453, %parallel_loop3A_441 : vector<16xf32>
        %parallel_loop3A_455 = arith.addf %parallel_loop3A_454, %parallel_loop3A_445 : vector<16xf32>
        tpu.vector_store_idx %arg18[%add3A_205, %parallel_loop3A_446], %parallel_loop3A_455 : memref<64x257xf32, #tpu.memory_space<vmem>>[vector<16xi32>, vector<16xi32>], vector<16xf32>,
        %parallel_loop3A_456 = arith.constant 32 : i32
        %parallel_loop3A_457 = arith.muli %parallel_loop3A_436, %parallel_loop3A_456 : i32
        %parallel_loop3A_458 = arith.constant 16 : i32
        %parallel_loop3A_459 = arith.addi %parallel_loop3A_457, %parallel_loop3A_458 : i32
        %parallel_loop3A_460 = arith.index_cast %parallel_loop3A_459 : i32 to index
        %parallel_loop3A_461 = tpu.vector_load %arg17[%parallel_loop3A_460] {strides = array<i32>} : memref<8192xf32, #tpu.memory_space<vmem>>, vector<16xf32>,
        %parallel_loop3A_462 = arith.mulf %parallel_loop3A_461, %mul3A_199 : vector<16xf32>
        %parallel_loop3A_463 = arith.mulf %parallel_loop3A_462, %parallel_loop3A_441 : vector<16xf32>
        %parallel_loop3A_464 = arith.addf %parallel_loop3A_463, %parallel_loop3A_445 : vector<16xf32>
        tpu.vector_store_idx %arg18[%add3A_211, %parallel_loop3A_446], %parallel_loop3A_464 : memref<64x257xf32, #tpu.memory_space<vmem>>[vector<16xi32>, vector<16xi32>], vector<16xf32>,
        scf.yield %parallel_loop3A_437 : i32
      } {sc.loop_unroll_factor = 2 : i64, sc.parallel_access}
      %add3A_221 = arith.addi %mul3A_2, %mul3A_40 : i32
      %dma_start3A = arith.constant 0 : i32
      %dma_start3A_222 = arith.constant 0 : i32
      %dma_start3A_223 = tpu.memref_slice %arg18[%dma_start3A, %dma_start3A_222] : memref<64x257xf32, #tpu.memory_space<vmem>> -> memref<32x256xf32, #tpu.memory_space<vmem>>
      %dma_start3A_224 = arith.constant 0 : i32
      %dma_start3A_225 = tpu.memref_slice %arg9[%add3A_221, %dma_start3A_224] : memref<131072x256xf32, #tpu.memory_space<hbm>> -> memref<32x256xf32, #tpu.memory_space<hbm>>
      %dma_start3A_226 = arith.constant 0 : i32
      %dma_start3A_227 = tpu.memref_slice %arg9[%add3A_221, %dma_start3A_226] : memref<131072x256xf32, #tpu.memory_space<hbm>> -> memref<32x256xf32, #tpu.memory_space<hbm>>
      %dma_start3A_228 = arith.constant 0 : i32
      %dma_start3A_229 = arith.constant 0 : i32
      %dma_start3A_230 = tpu.memref_slice %arg18[%dma_start3A_228, %dma_start3A_229] : memref<64x257xf32, #tpu.memory_space<vmem>> -> memref<32x256xf32, #tpu.memory_space<vmem>>
      tpu.enqueue_dma source(%dma_start3A_230 : memref<32x256xf32, #tpu.memory_space<vmem>>) target(%dma_start3A_227 : memref<32x256xf32, #tpu.memory_space<hbm>>) target_semaphore(%arg19 : memref<!tpu.dma_semaphore, #tpu.memory_space<semaphore_mem>>)
      %mul3A_231 = arith.constant 2 : i32
      %mul3A_232 = arith.muli %scan3A_31, %mul3A_231 : i32
      %add3A_233 = arith.constant 1 : i32
      %add3A_234 = arith.addi %mul3A_232, %add3A_233 : i32
      %mul3A_235 = arith.constant 32 : i32
      %mul3A_236 = arith.muli %add3A_234, %mul3A_235 : i32
      %rem3A_237 = arith.constant 32 : i32
      %rem3A_238 = arith.remsi %add3A_234, %rem3A_237 : i32
      %mul3A_239 = arith.constant 32 : i32
      %mul3A_240 = arith.muli %rem3A_238, %mul3A_239 : i32
      %add3A_241 = arith.constant 0 : i32
      %add3A_242 = arith.addi %mul3A_236, %add3A_241 : i32
      %get3A_243 = arith.index_cast %add3A_242 : i32 to index
      %get3A_244 = tpu.vector_load %arg10[%get3A_243] {strides = array<i32>} : memref<4096xi32, #tpu.memory_space<vmem>>, vector<16xi32>,
      %mul3A_245 = arith.constant 257 : i32
      %mul3A_246 = vector.broadcast %mul3A_245 : i32 to vector<16xi32>
      %mul3A_247 = arith.muli %get3A_244, %mul3A_246 : vector<16xi32>
      %add3A_248 = arith.constant 0 : i32
      %add3A_249 = arith.addi %mul3A_240, %add3A_248 : i32
      %mul3A_250 = arith.constant 8 : i32
      %mul3A_251 = arith.muli %add3A_249, %mul3A_250 : i32
      %mul3A_252 = arith.constant 8 : i32
      %mul3A_253 = vector.broadcast %mul3A_252 : i32 to vector<16xi32>
      %mul3A_254 = arith.muli %iota3A, %mul3A_253 : vector<16xi32>
      %add3A_255 = vector.broadcast %mul3A_251 : i32 to vector<16xi32>
      %add3A_256 = arith.addi %add3A_255, %mul3A_254 : vector<16xi32>
      %add3A_257 = arith.constant 0 : i32
      %add3A_258 = vector.broadcast %add3A_257 : i32 to vector<16xi32>
      %add3A_259 = arith.addi %add3A_256, %add3A_258 : vector<16xi32>
      %gather3A_260 = tpu.vector_load_idx %arg11[%add3A_259] : memref<8192xf32, #tpu.memory_space<vmem>>[vector<16xi32>], vector<16xf32>,
      %add3A_261 = arith.constant 1 : i32
      %add3A_262 = vector.broadcast %add3A_261 : i32 to vector<16xi32>
      %add3A_263 = arith.addi %add3A_256, %add3A_262 : vector<16xi32>
      %gather3A_264 = tpu.vector_load_idx %arg11[%add3A_263] : memref<8192xf32, #tpu.memory_space<vmem>>[vector<16xi32>], vector<16xf32>,
      %add3A_265 = arith.constant 2 : i32
      %add3A_266 = vector.broadcast %add3A_265 : i32 to vector<16xi32>
      %add3A_267 = arith.addi %add3A_256, %add3A_266 : vector<16xi32>
      %gather3A_268 = tpu.vector_load_idx %arg11[%add3A_267] : memref<8192xf32, #tpu.memory_space<vmem>>[vector<16xi32>], vector<16xf32>,
      %add3A_269 = arith.constant 3 : i32
      %add3A_270 = vector.broadcast %add3A_269 : i32 to vector<16xi32>
      %add3A_271 = arith.addi %add3A_256, %add3A_270 : vector<16xi32>
      %gather3A_272 = tpu.vector_load_idx %arg11[%add3A_271] : memref<8192xf32, #tpu.memory_space<vmem>>[vector<16xi32>], vector<16xf32>,
      %add3A_273 = arith.constant 4 : i32
      %add3A_274 = vector.broadcast %add3A_273 : i32 to vector<16xi32>
      %add3A_275 = arith.addi %add3A_256, %add3A_274 : vector<16xi32>
      %gather3A_276 = tpu.vector_load_idx %arg11[%add3A_275] : memref<8192xf32, #tpu.memory_space<vmem>>[vector<16xi32>], vector<16xf32>,
      %add3A_277 = arith.constant 16 : i32
      %add3A_278 = arith.addi %mul3A_236, %add3A_277 : i32
      %get3A_279 = arith.index_cast %add3A_278 : i32 to index
      %get3A_280 = tpu.vector_load %arg10[%get3A_279] {strides = array<i32>} : memref<4096xi32, #tpu.memory_space<vmem>>, vector<16xi32>,
      %mul3A_281 = arith.constant 257 : i32
      %mul3A_282 = vector.broadcast %mul3A_281 : i32 to vector<16xi32>
      %mul3A_283 = arith.muli %get3A_280, %mul3A_282 : vector<16xi32>
      %add3A_284 = arith.constant 16 : i32
      %add3A_285 = arith.addi %mul3A_240, %add3A_284 : i32
      %mul3A_286 = arith.constant 8 : i32
      %mul3A_287 = arith.muli %add3A_285, %mul3A_286 : i32
      %mul3A_288 = arith.constant 8 : i32
      %mul3A_289 = vector.broadcast %mul3A_288 : i32 to vector<16xi32>
      %mul3A_290 = arith.muli %iota3A, %mul3A_289 : vector<16xi32>
      %add3A_291 = vector.broadcast %mul3A_287 : i32 to vector<16xi32>
      %add3A_292 = arith.addi %add3A_291, %mul3A_290 : vector<16xi32>
      %add3A_293 = arith.constant 0 : i32
      %add3A_294 = vector.broadcast %add3A_293 : i32 to vector<16xi32>
      %add3A_295 = arith.addi %add3A_292, %add3A_294 : vector<16xi32>
      %gather3A_296 = tpu.vector_load_idx %arg11[%add3A_295] : memref<8192xf32, #tpu.memory_space<vmem>>[vector<16xi32>], vector<16xf32>,
      %add3A_297 = arith.constant 1 : i32
      %add3A_298 = vector.broadcast %add3A_297 : i32 to vector<16xi32>
      %add3A_299 = arith.addi %add3A_292, %add3A_298 : vector<16xi32>
      %gather3A_300 = tpu.vector_load_idx %arg11[%add3A_299] : memref<8192xf32, #tpu.memory_space<vmem>>[vector<16xi32>], vector<16xf32>,
      %add3A_301 = arith.constant 2 : i32
      %add3A_302 = vector.broadcast %add3A_301 : i32 to vector<16xi32>
      %add3A_303 = arith.addi %add3A_292, %add3A_302 : vector<16xi32>
      %gather3A_304 = tpu.vector_load_idx %arg11[%add3A_303] : memref<8192xf32, #tpu.memory_space<vmem>>[vector<16xi32>], vector<16xf32>,
      %add3A_305 = arith.constant 3 : i32
      %add3A_306 = vector.broadcast %add3A_305 : i32 to vector<16xi32>
      %add3A_307 = arith.addi %add3A_292, %add3A_306 : vector<16xi32>
      %gather3A_308 = tpu.vector_load_idx %arg11[%add3A_307] : memref<8192xf32, #tpu.memory_space<vmem>>[vector<16xi32>], vector<16xf32>,
      %add3A_309 = arith.constant 4 : i32
      %add3A_310 = vector.broadcast %add3A_309 : i32 to vector<16xi32>
      %add3A_311 = arith.addi %add3A_292, %add3A_310 : vector<16xi32>
      %gather3A_312 = tpu.vector_load_idx %arg11[%add3A_311] : memref<8192xf32, #tpu.memory_space<vmem>>[vector<16xi32>], vector<16xf32>,
      %broadcast_in_dim3A_313 = arith.constant 0.000000e+00 : f32
      %broadcast_in_dim3A_314 = vector.broadcast %broadcast_in_dim3A_313 : f32 to vector<16xf32>
      %parallel_loop3A_315 = arith.constant 0 : i32
      %parallel_loop3A_316 = arith.constant 256 : i32
      %parallel_loop3A_317 = arith.constant 2 : i32
      %parallel_loop3A_318:4 = scf.for %parallel_loop3A_436 = %parallel_loop3A_315 to %parallel_loop3A_316 step %parallel_loop3A_317 iter_args(%parallel_loop3A_437 = %broadcast_in_dim3A_314, %parallel_loop3A_438 = %broadcast_in_dim3A_314, %parallel_loop3A_439 = %broadcast_in_dim3A_314, %parallel_loop3A_440 = %broadcast_in_dim3A_314) -> (vector<16xf32>, vector<16xf32>, vector<16xf32>, vector<16xf32>)  : i32 {
        %parallel_loop3A_441 = arith.constant 0 : i32
        %parallel_loop3A_442 = arith.addi %parallel_loop3A_436, %parallel_loop3A_441 : i32
        %parallel_loop3A_443 = arith.constant 16 : i32
        %parallel_loop3A_444 = arith.muli %parallel_loop3A_442, %parallel_loop3A_443 : i32
        %parallel_loop3A_445 = arith.constant 0 : i32
        %parallel_loop3A_446 = arith.addi %parallel_loop3A_445, %parallel_loop3A_444 : i32
        %parallel_loop3A_447 = arith.index_cast %parallel_loop3A_446 : i32 to index
        %parallel_loop3A_448 = tpu.vector_load %arg13[%parallel_loop3A_447] {strides = array<i32>} : memref<20480xf32, #tpu.memory_space<vmem>>, vector<16xf32>,
        %parallel_loop3A_449 = arith.constant 16 : i32
        %parallel_loop3A_450 = arith.muli %parallel_loop3A_442, %parallel_loop3A_449 : i32
        %parallel_loop3A_451 = arith.constant 4096 : i32
        %parallel_loop3A_452 = arith.addi %parallel_loop3A_451, %parallel_loop3A_450 : i32
        %parallel_loop3A_453 = arith.index_cast %parallel_loop3A_452 : i32 to index
        %parallel_loop3A_454 = tpu.vector_load %arg13[%parallel_loop3A_453] {strides = array<i32>} : memref<20480xf32, #tpu.memory_space<vmem>>, vector<16xf32>,
        %parallel_loop3A_455 = arith.constant 16 : i32
        %parallel_loop3A_456 = arith.muli %parallel_loop3A_442, %parallel_loop3A_455 : i32
        %parallel_loop3A_457 = arith.constant 8192 : i32
        %parallel_loop3A_458 = arith.addi %parallel_loop3A_457, %parallel_loop3A_456 : i32
        %parallel_loop3A_459 = arith.index_cast %parallel_loop3A_458 : i32 to index
        %parallel_loop3A_460 = tpu.vector_load %arg13[%parallel_loop3A_459] {strides = array<i32>} : memref<20480xf32, #tpu.memory_space<vmem>>, vector<16xf32>,
        %parallel_loop3A_461 = arith.constant 16 : i32
        %parallel_loop3A_462 = arith.muli %parallel_loop3A_442, %parallel_loop3A_461 : i32
        %parallel_loop3A_463 = arith.constant 12288 : i32
        %parallel_loop3A_464 = arith.addi %parallel_loop3A_463, %parallel_loop3A_462 : i32
        %parallel_loop3A_465 = arith.index_cast %parallel_loop3A_464 : i32 to index
        %parallel_loop3A_466 = tpu.vector_load %arg13[%parallel_loop3A_465] {strides = array<i32>} : memref<20480xf32, #tpu.memory_space<vmem>>, vector<16xf32>,
        %parallel_loop3A_467 = arith.constant 16 : i32
        %parallel_loop3A_468 = arith.muli %parallel_loop3A_442, %parallel_loop3A_467 : i32
        %parallel_loop3A_469 = arith.constant 16384 : i32
        %parallel_loop3A_470 = arith.addi %parallel_loop3A_469, %parallel_loop3A_468 : i32
        %parallel_loop3A_471 = arith.index_cast %parallel_loop3A_470 : i32 to index
        %parallel_loop3A_472 = tpu.vector_load %arg13[%parallel_loop3A_471] {strides = array<i32>} : memref<20480xf32, #tpu.memory_space<vmem>>, vector<16xf32>,
        %parallel_loop3A_473 = arith.constant 16 : i32
        %parallel_loop3A_474 = arith.muli %parallel_loop3A_442, %parallel_loop3A_473 : i32
        %parallel_loop3A_475 = arith.index_cast %parallel_loop3A_474 : i32 to index
        %parallel_loop3A_476 = tpu.vector_load %arg14[%parallel_loop3A_475] {strides = array<i32>} : memref<4096xf32, #tpu.memory_space<vmem>>, vector<16xf32>,
        %parallel_loop3A_477 = vector.broadcast %parallel_loop3A_442 : i32 to vector<16xi32>
        %parallel_loop3A_478 = arith.addi %mul3A_247, %parallel_loop3A_477 : vector<16xi32>
        %parallel_loop3A_479 = tpu.vector_load_idx %arg12[%parallel_loop3A_478] : memref<8224xf32, #tpu.memory_space<vmem>>[vector<16xi32>], vector<16xf32>,
        %parallel_loop3A_480 = arith.addf %parallel_loop3A_479, %parallel_loop3A_476 : vector<16xf32>
        %parallel_loop3A_481 = arith.mulf %gather3A_260, %parallel_loop3A_448 : vector<16xf32>
        %parallel_loop3A_482 = arith.mulf %gather3A_264, %parallel_loop3A_454 : vector<16xf32>
        %parallel_loop3A_483 = arith.addf %parallel_loop3A_481, %parallel_loop3A_482 : vector<16xf32>
        %parallel_loop3A_484 = arith.mulf %gather3A_268, %parallel_loop3A_460 : vector<16xf32>
        %parallel_loop3A_485 = arith.mulf %gather3A_272, %parallel_loop3A_466 : vector<16xf32>
        %parallel_loop3A_486 = arith.addf %parallel_loop3A_484, %parallel_loop3A_485 : vector<16xf32>
        %parallel_loop3A_487 = arith.mulf %gather3A_276, %parallel_loop3A_472 : vector<16xf32>
        %parallel_loop3A_488 = arith.addf %parallel_loop3A_480, %parallel_loop3A_487 : vector<16xf32>
        %parallel_loop3A_489 = arith.addf %parallel_loop3A_483, %parallel_loop3A_486 : vector<16xf32>
        %parallel_loop3A_490 = arith.addf %parallel_loop3A_488, %parallel_loop3A_489 : vector<16xf32>
        %parallel_loop3A_491 = arith.constant 32 : i32
        %parallel_loop3A_492 = arith.muli %parallel_loop3A_442, %parallel_loop3A_491 : i32
        %parallel_loop3A_493 = arith.constant 0 : i32
        %parallel_loop3A_494 = arith.addi %parallel_loop3A_492, %parallel_loop3A_493 : i32
        %parallel_loop3A_495 = arith.index_cast %parallel_loop3A_494 : i32 to index
        %parallel_loop3A_496 = tpu.vector_load %arg17[%parallel_loop3A_495] {strides = array<i32>} : memref<8192xf32, #tpu.memory_space<vmem>>, vector<16xf32>,
        tpu.vector_store %arg17[%parallel_loop3A_495], %parallel_loop3A_490 {strides = array<i32>} : memref<8192xf32, #tpu.memory_space<vmem>>, vector<16xf32>,
        %parallel_loop3A_497 = arith.mulf %parallel_loop3A_490, %parallel_loop3A_490 : vector<16xf32>
        %parallel_loop3A_498 = arith.addf %parallel_loop3A_437, %parallel_loop3A_497 : vector<16xf32>
        %parallel_loop3A_499 = vector.broadcast %parallel_loop3A_442 : i32 to vector<16xi32>
        %parallel_loop3A_500 = arith.addi %mul3A_283, %parallel_loop3A_499 : vector<16xi32>
        %parallel_loop3A_501 = tpu.vector_load_idx %arg12[%parallel_loop3A_500] : memref<8224xf32, #tpu.memory_space<vmem>>[vector<16xi32>], vector<16xf32>,
        %parallel_loop3A_502 = arith.addf %parallel_loop3A_501, %parallel_loop3A_476 : vector<16xf32>
        %parallel_loop3A_503 = arith.mulf %gather3A_296, %parallel_loop3A_448 : vector<16xf32>
        %parallel_loop3A_504 = arith.mulf %gather3A_300, %parallel_loop3A_454 : vector<16xf32>
        %parallel_loop3A_505 = arith.addf %parallel_loop3A_503, %parallel_loop3A_504 : vector<16xf32>
        %parallel_loop3A_506 = arith.mulf %gather3A_304, %parallel_loop3A_460 : vector<16xf32>
        %parallel_loop3A_507 = arith.mulf %gather3A_308, %parallel_loop3A_466 : vector<16xf32>
        %parallel_loop3A_508 = arith.addf %parallel_loop3A_506, %parallel_loop3A_507 : vector<16xf32>
        %parallel_loop3A_509 = arith.mulf %gather3A_312, %parallel_loop3A_472 : vector<16xf32>
        %parallel_loop3A_510 = arith.addf %parallel_loop3A_502, %parallel_loop3A_509 : vector<16xf32>
        %parallel_loop3A_511 = arith.addf %parallel_loop3A_505, %parallel_loop3A_508 : vector<16xf32>
        %parallel_loop3A_512 = arith.addf %parallel_loop3A_510, %parallel_loop3A_511 : vector<16xf32>
        %parallel_loop3A_513 = arith.constant 32 : i32
        %parallel_loop3A_514 = arith.muli %parallel_loop3A_442, %parallel_loop3A_513 : i32
        %parallel_loop3A_515 = arith.constant 16 : i32
        %parallel_loop3A_516 = arith.addi %parallel_loop3A_514, %parallel_loop3A_515 : i32
        %parallel_loop3A_517 = arith.index_cast %parallel_loop3A_516 : i32 to index
        %parallel_loop3A_518 = tpu.vector_load %arg17[%parallel_loop3A_517] {strides = array<i32>} : memref<8192xf32, #tpu.memory_space<vmem>>, vector<16xf32>,
        tpu.vector_store %arg17[%parallel_loop3A_517], %parallel_loop3A_512 {strides = array<i32>} : memref<8192xf32, #tpu.memory_space<vmem>>, vector<16xf32>,
        %parallel_loop3A_519 = arith.mulf %parallel_loop3A_512, %parallel_loop3A_512 : vector<16xf32>
        %parallel_loop3A_520 = arith.addf %parallel_loop3A_438, %parallel_loop3A_519 : vector<16xf32>
        %parallel_loop3A_521 = arith.constant 1 : i32
        %parallel_loop3A_522 = arith.addi %parallel_loop3A_436, %parallel_loop3A_521 : i32
        %parallel_loop3A_523 = arith.constant 16 : i32
        %parallel_loop3A_524 = arith.muli %parallel_loop3A_522, %parallel_loop3A_523 : i32
        %parallel_loop3A_525 = arith.constant 0 : i32
        %parallel_loop3A_526 = arith.addi %parallel_loop3A_525, %parallel_loop3A_524 : i32
        %parallel_loop3A_527 = arith.index_cast %parallel_loop3A_526 : i32 to index
        %parallel_loop3A_528 = tpu.vector_load %arg13[%parallel_loop3A_527] {strides = array<i32>} : memref<20480xf32, #tpu.memory_space<vmem>>, vector<16xf32>,
        %parallel_loop3A_529 = arith.constant 16 : i32
        %parallel_loop3A_530 = arith.muli %parallel_loop3A_522, %parallel_loop3A_529 : i32
        %parallel_loop3A_531 = arith.constant 4096 : i32
        %parallel_loop3A_532 = arith.addi %parallel_loop3A_531, %parallel_loop3A_530 : i32
        %parallel_loop3A_533 = arith.index_cast %parallel_loop3A_532 : i32 to index
        %parallel_loop3A_534 = tpu.vector_load %arg13[%parallel_loop3A_533] {strides = array<i32>} : memref<20480xf32, #tpu.memory_space<vmem>>, vector<16xf32>,
        %parallel_loop3A_535 = arith.constant 16 : i32
        %parallel_loop3A_536 = arith.muli %parallel_loop3A_522, %parallel_loop3A_535 : i32
        %parallel_loop3A_537 = arith.constant 8192 : i32
        %parallel_loop3A_538 = arith.addi %parallel_loop3A_537, %parallel_loop3A_536 : i32
        %parallel_loop3A_539 = arith.index_cast %parallel_loop3A_538 : i32 to index
        %parallel_loop3A_540 = tpu.vector_load %arg13[%parallel_loop3A_539] {strides = array<i32>} : memref<20480xf32, #tpu.memory_space<vmem>>, vector<16xf32>,
        %parallel_loop3A_541 = arith.constant 16 : i32
        %parallel_loop3A_542 = arith.muli %parallel_loop3A_522, %parallel_loop3A_541 : i32
        %parallel_loop3A_543 = arith.constant 12288 : i32
        %parallel_loop3A_544 = arith.addi %parallel_loop3A_543, %parallel_loop3A_542 : i32
        %parallel_loop3A_545 = arith.index_cast %parallel_loop3A_544 : i32 to index
        %parallel_loop3A_546 = tpu.vector_load %arg13[%parallel_loop3A_545] {strides = array<i32>} : memref<20480xf32, #tpu.memory_space<vmem>>, vector<16xf32>,
        %parallel_loop3A_547 = arith.constant 16 : i32
        %parallel_loop3A_548 = arith.muli %parallel_loop3A_522, %parallel_loop3A_547 : i32
        %parallel_loop3A_549 = arith.constant 16384 : i32
        %parallel_loop3A_550 = arith.addi %parallel_loop3A_549, %parallel_loop3A_548 : i32
        %parallel_loop3A_551 = arith.index_cast %parallel_loop3A_550 : i32 to index
        %parallel_loop3A_552 = tpu.vector_load %arg13[%parallel_loop3A_551] {strides = array<i32>} : memref<20480xf32, #tpu.memory_space<vmem>>, vector<16xf32>,
        %parallel_loop3A_553 = arith.constant 16 : i32
        %parallel_loop3A_554 = arith.muli %parallel_loop3A_522, %parallel_loop3A_553 : i32
        %parallel_loop3A_555 = arith.index_cast %parallel_loop3A_554 : i32 to index
        %parallel_loop3A_556 = tpu.vector_load %arg14[%parallel_loop3A_555] {strides = array<i32>} : memref<4096xf32, #tpu.memory_space<vmem>>, vector<16xf32>,
        %parallel_loop3A_557 = vector.broadcast %parallel_loop3A_522 : i32 to vector<16xi32>
        %parallel_loop3A_558 = arith.addi %mul3A_247, %parallel_loop3A_557 : vector<16xi32>
        %parallel_loop3A_559 = tpu.vector_load_idx %arg12[%parallel_loop3A_558] : memref<8224xf32, #tpu.memory_space<vmem>>[vector<16xi32>], vector<16xf32>,
        %parallel_loop3A_560 = arith.addf %parallel_loop3A_559, %parallel_loop3A_556 : vector<16xf32>
        %parallel_loop3A_561 = arith.mulf %gather3A_260, %parallel_loop3A_528 : vector<16xf32>
        %parallel_loop3A_562 = arith.mulf %gather3A_264, %parallel_loop3A_534 : vector<16xf32>
        %parallel_loop3A_563 = arith.addf %parallel_loop3A_561, %parallel_loop3A_562 : vector<16xf32>
        %parallel_loop3A_564 = arith.mulf %gather3A_268, %parallel_loop3A_540 : vector<16xf32>
        %parallel_loop3A_565 = arith.mulf %gather3A_272, %parallel_loop3A_546 : vector<16xf32>
        %parallel_loop3A_566 = arith.addf %parallel_loop3A_564, %parallel_loop3A_565 : vector<16xf32>
        %parallel_loop3A_567 = arith.mulf %gather3A_276, %parallel_loop3A_552 : vector<16xf32>
        %parallel_loop3A_568 = arith.addf %parallel_loop3A_560, %parallel_loop3A_567 : vector<16xf32>
        %parallel_loop3A_569 = arith.addf %parallel_loop3A_563, %parallel_loop3A_566 : vector<16xf32>
        %parallel_loop3A_570 = arith.addf %parallel_loop3A_568, %parallel_loop3A_569 : vector<16xf32>
        %parallel_loop3A_571 = arith.constant 32 : i32
        %parallel_loop3A_572 = arith.muli %parallel_loop3A_522, %parallel_loop3A_571 : i32
        %parallel_loop3A_573 = arith.constant 0 : i32
        %parallel_loop3A_574 = arith.addi %parallel_loop3A_572, %parallel_loop3A_573 : i32
        %parallel_loop3A_575 = arith.index_cast %parallel_loop3A_574 : i32 to index
        %parallel_loop3A_576 = tpu.vector_load %arg17[%parallel_loop3A_575] {strides = array<i32>} : memref<8192xf32, #tpu.memory_space<vmem>>, vector<16xf32>,
        tpu.vector_store %arg17[%parallel_loop3A_575], %parallel_loop3A_570 {strides = array<i32>} : memref<8192xf32, #tpu.memory_space<vmem>>, vector<16xf32>,
        %parallel_loop3A_577 = arith.mulf %parallel_loop3A_570, %parallel_loop3A_570 : vector<16xf32>
        %parallel_loop3A_578 = arith.addf %parallel_loop3A_439, %parallel_loop3A_577 : vector<16xf32>
        %parallel_loop3A_579 = vector.broadcast %parallel_loop3A_522 : i32 to vector<16xi32>
        %parallel_loop3A_580 = arith.addi %mul3A_283, %parallel_loop3A_579 : vector<16xi32>
        %parallel_loop3A_581 = tpu.vector_load_idx %arg12[%parallel_loop3A_580] : memref<8224xf32, #tpu.memory_space<vmem>>[vector<16xi32>], vector<16xf32>,
        %parallel_loop3A_582 = arith.addf %parallel_loop3A_581, %parallel_loop3A_556 : vector<16xf32>
        %parallel_loop3A_583 = arith.mulf %gather3A_296, %parallel_loop3A_528 : vector<16xf32>
        %parallel_loop3A_584 = arith.mulf %gather3A_300, %parallel_loop3A_534 : vector<16xf32>
        %parallel_loop3A_585 = arith.addf %parallel_loop3A_583, %parallel_loop3A_584 : vector<16xf32>
        %parallel_loop3A_586 = arith.mulf %gather3A_304, %parallel_loop3A_540 : vector<16xf32>
        %parallel_loop3A_587 = arith.mulf %gather3A_308, %parallel_loop3A_546 : vector<16xf32>
        %parallel_loop3A_588 = arith.addf %parallel_loop3A_586, %parallel_loop3A_587 : vector<16xf32>
        %parallel_loop3A_589 = arith.mulf %gather3A_312, %parallel_loop3A_552 : vector<16xf32>
        %parallel_loop3A_590 = arith.addf %parallel_loop3A_582, %parallel_loop3A_589 : vector<16xf32>
        %parallel_loop3A_591 = arith.addf %parallel_loop3A_585, %parallel_loop3A_588 : vector<16xf32>
        %parallel_loop3A_592 = arith.addf %parallel_loop3A_590, %parallel_loop3A_591 : vector<16xf32>
        %parallel_loop3A_593 = arith.constant 32 : i32
        %parallel_loop3A_594 = arith.muli %parallel_loop3A_522, %parallel_loop3A_593 : i32
        %parallel_loop3A_595 = arith.constant 16 : i32
        %parallel_loop3A_596 = arith.addi %parallel_loop3A_594, %parallel_loop3A_595 : i32
        %parallel_loop3A_597 = arith.index_cast %parallel_loop3A_596 : i32 to index
        %parallel_loop3A_598 = tpu.vector_load %arg17[%parallel_loop3A_597] {strides = array<i32>} : memref<8192xf32, #tpu.memory_space<vmem>>, vector<16xf32>,
        tpu.vector_store %arg17[%parallel_loop3A_597], %parallel_loop3A_592 {strides = array<i32>} : memref<8192xf32, #tpu.memory_space<vmem>>, vector<16xf32>,
        %parallel_loop3A_599 = arith.mulf %parallel_loop3A_592, %parallel_loop3A_592 : vector<16xf32>
        %parallel_loop3A_600 = arith.addf %parallel_loop3A_440, %parallel_loop3A_599 : vector<16xf32>
        scf.yield %parallel_loop3A_498, %parallel_loop3A_520, %parallel_loop3A_578, %parallel_loop3A_600 : vector<16xf32>, vector<16xf32>, vector<16xf32>, vector<16xf32>
      } {sc.loop_unroll_factor = 2 : i64, sc.parallel_access}
      %add3A_319 = arith.addf %parallel_loop3A_318#0, %parallel_loop3A_318#2 : vector<16xf32>
      %mul3A_320 = arith.constant 3.906250e-03 : f32
      %mul3A_321 = vector.broadcast %mul3A_320 : f32 to vector<16xf32>
      %mul3A_322 = arith.mulf %add3A_319, %mul3A_321 : vector<16xf32>
      %add3A_323 = arith.constant 9.99999974E-6 : f32
      %add3A_324 = vector.broadcast %add3A_323 : f32 to vector<16xf32>
      %add3A_325 = arith.addf %mul3A_322, %add3A_324 : vector<16xf32>
      %bitcast3A_326 = vector.bitcast %add3A_325 : vector<16xf32> to vector<16xi32>
      %shift_right_arithmetic3A_327 = arith.constant 1 : i32
      %shift_right_arithmetic3A_328 = vector.broadcast %shift_right_arithmetic3A_327 : i32 to vector<16xi32>
      %shift_right_arithmetic3A_329 = arith.shrsi %bitcast3A_326, %shift_right_arithmetic3A_328 : vector<16xi32>
      %sub3A_330 = arith.constant 1597463007 : i32
      %sub3A_331 = vector.broadcast %sub3A_330 : i32 to vector<16xi32>
      %sub3A_332 = arith.subi %sub3A_331, %shift_right_arithmetic3A_329 : vector<16xi32>
      %bitcast3A_333 = vector.bitcast %sub3A_332 : vector<16xi32> to vector<16xf32>
      %mul3A_334 = arith.constant 5.000000e-01 : f32
      %mul3A_335 = vector.broadcast %mul3A_334 : f32 to vector<16xf32>
      %mul3A_336 = arith.mulf %mul3A_335, %add3A_325 : vector<16xf32>
      %mul3A_337 = arith.mulf %mul3A_336, %bitcast3A_333 : vector<16xf32>
      %mul3A_338 = arith.mulf %mul3A_337, %bitcast3A_333 : vector<16xf32>
      %sub3A_339 = arith.constant 1.500000e+00 : f32
      %sub3A_340 = vector.broadcast %sub3A_339 : f32 to vector<16xf32>
      %sub3A_341 = arith.subf %sub3A_340, %mul3A_338 : vector<16xf32>
      %mul3A_342 = arith.mulf %bitcast3A_333, %sub3A_341 : vector<16xf32>
      %mul3A_343 = arith.constant 5.000000e-01 : f32
      %mul3A_344 = vector.broadcast %mul3A_343 : f32 to vector<16xf32>
      %mul3A_345 = arith.mulf %mul3A_344, %add3A_325 : vector<16xf32>
      %mul3A_346 = arith.mulf %mul3A_345, %mul3A_342 : vector<16xf32>
      %mul3A_347 = arith.mulf %mul3A_346, %mul3A_342 : vector<16xf32>
      %sub3A_348 = arith.constant 1.500000e+00 : f32
      %sub3A_349 = vector.broadcast %sub3A_348 : f32 to vector<16xf32>
      %sub3A_350 = arith.subf %sub3A_349, %mul3A_347 : vector<16xf32>
      %mul3A_351 = arith.mulf %mul3A_342, %sub3A_350 : vector<16xf32>
      %mul3A_352 = arith.constant 5.000000e-01 : f32
      %mul3A_353 = vector.broadcast %mul3A_352 : f32 to vector<16xf32>
      %mul3A_354 = arith.mulf %mul3A_353, %add3A_325 : vector<16xf32>
      %mul3A_355 = arith.mulf %mul3A_354, %mul3A_351 : vector<16xf32>
      %mul3A_356 = arith.mulf %mul3A_355, %mul3A_351 : vector<16xf32>
      %sub3A_357 = arith.constant 1.500000e+00 : f32
      %sub3A_358 = vector.broadcast %sub3A_357 : f32 to vector<16xf32>
      %sub3A_359 = arith.subf %sub3A_358, %mul3A_356 : vector<16xf32>
      %mul3A_360 = arith.mulf %mul3A_351, %sub3A_359 : vector<16xf32>
      %add3A_361 = arith.addf %parallel_loop3A_318#1, %parallel_loop3A_318#3 : vector<16xf32>
      %mul3A_362 = arith.constant 3.906250e-03 : f32
      %mul3A_363 = vector.broadcast %mul3A_362 : f32 to vector<16xf32>
      %mul3A_364 = arith.mulf %add3A_361, %mul3A_363 : vector<16xf32>
      %add3A_365 = arith.constant 9.99999974E-6 : f32
      %add3A_366 = vector.broadcast %add3A_365 : f32 to vector<16xf32>
      %add3A_367 = arith.addf %mul3A_364, %add3A_366 : vector<16xf32>
      %bitcast3A_368 = vector.bitcast %add3A_367 : vector<16xf32> to vector<16xi32>
      %shift_right_arithmetic3A_369 = arith.constant 1 : i32
      %shift_right_arithmetic3A_370 = vector.broadcast %shift_right_arithmetic3A_369 : i32 to vector<16xi32>
      %shift_right_arithmetic3A_371 = arith.shrsi %bitcast3A_368, %shift_right_arithmetic3A_370 : vector<16xi32>
      %sub3A_372 = arith.constant 1597463007 : i32
      %sub3A_373 = vector.broadcast %sub3A_372 : i32 to vector<16xi32>
      %sub3A_374 = arith.subi %sub3A_373, %shift_right_arithmetic3A_371 : vector<16xi32>
      %bitcast3A_375 = vector.bitcast %sub3A_374 : vector<16xi32> to vector<16xf32>
      %mul3A_376 = arith.constant 5.000000e-01 : f32
      %mul3A_377 = vector.broadcast %mul3A_376 : f32 to vector<16xf32>
      %mul3A_378 = arith.mulf %mul3A_377, %add3A_367 : vector<16xf32>
      %mul3A_379 = arith.mulf %mul3A_378, %bitcast3A_375 : vector<16xf32>
      %mul3A_380 = arith.mulf %mul3A_379, %bitcast3A_375 : vector<16xf32>
      %sub3A_381 = arith.constant 1.500000e+00 : f32
      %sub3A_382 = vector.broadcast %sub3A_381 : f32 to vector<16xf32>
      %sub3A_383 = arith.subf %sub3A_382, %mul3A_380 : vector<16xf32>
      %mul3A_384 = arith.mulf %bitcast3A_375, %sub3A_383 : vector<16xf32>
      %mul3A_385 = arith.constant 5.000000e-01 : f32
      %mul3A_386 = vector.broadcast %mul3A_385 : f32 to vector<16xf32>
      %mul3A_387 = arith.mulf %mul3A_386, %add3A_367 : vector<16xf32>
      %mul3A_388 = arith.mulf %mul3A_387, %mul3A_384 : vector<16xf32>
      %mul3A_389 = arith.mulf %mul3A_388, %mul3A_384 : vector<16xf32>
      %sub3A_390 = arith.constant 1.500000e+00 : f32
      %sub3A_391 = vector.broadcast %sub3A_390 : f32 to vector<16xf32>
      %sub3A_392 = arith.subf %sub3A_391, %mul3A_389 : vector<16xf32>
      %mul3A_393 = arith.mulf %mul3A_384, %sub3A_392 : vector<16xf32>
      %mul3A_394 = arith.constant 5.000000e-01 : f32
      %mul3A_395 = vector.broadcast %mul3A_394 : f32 to vector<16xf32>
      %mul3A_396 = arith.mulf %mul3A_395, %add3A_367 : vector<16xf32>
      %mul3A_397 = arith.mulf %mul3A_396, %mul3A_393 : vector<16xf32>
      %mul3A_398 = arith.mulf %mul3A_397, %mul3A_393 : vector<16xf32>
      %sub3A_399 = arith.constant 1.500000e+00 : f32
      %sub3A_400 = vector.broadcast %sub3A_399 : f32 to vector<16xf32>
      %sub3A_401 = arith.subf %sub3A_400, %mul3A_398 : vector<16xf32>
      %mul3A_402 = arith.mulf %mul3A_393, %sub3A_401 : vector<16xf32>
      %add3A_403 = arith.constant 32 : i32
      %add3A_404 = vector.broadcast %add3A_403 : i32 to vector<16xi32>
      %add3A_405 = arith.addi %add3A_404, %iota3A : vector<16xi32>
      %add3A_406 = arith.constant 0 : i32
      %add3A_407 = vector.broadcast %add3A_406 : i32 to vector<16xi32>
      %add3A_408 = arith.addi %add3A_405, %add3A_407 : vector<16xi32>
      %add3A_409 = arith.constant 32 : i32
      %add3A_410 = vector.broadcast %add3A_409 : i32 to vector<16xi32>
      %add3A_411 = arith.addi %add3A_410, %iota3A : vector<16xi32>
      %add3A_412 = arith.constant 16 : i32
      %add3A_413 = vector.broadcast %add3A_412 : i32 to vector<16xi32>
      %add3A_414 = arith.addi %add3A_411, %add3A_413 : vector<16xi32>
      %gt3A_415 = arith.constant 0 : i32
      %gt3A_416 = arith.cmpi sgt, %scan3A_31, %gt3A_415 : i32
      %convert_element_type3A_417 = arith.extui %gt3A_416 : i1 to i32
      %cond3A_418 = arith.constant 0 : i32
      %cond3A_419 = arith.cmpi ne, %convert_element_type3A_417, %cond3A_418 : i32
      scf.if %cond3A_419 {
        %sub3A_436 = arith.constant 2 : i32
        %sub3A_437 = arith.subi %add3A_234, %sub3A_436 : i32
        %mul3A_438 = arith.constant 32 : i32
        %mul3A_439 = arith.muli %sub3A_437, %mul3A_438 : i32
        %add3A_440 = arith.addi %mul3A_2, %mul3A_439 : i32
        %dma_wait3A_441 = arith.constant 32 : i32
        %dma_wait3A_442 = arith.constant 0 : i32
        %dma_wait3A_443 = tpu.memref_slice %arg18[%dma_wait3A_441, %dma_wait3A_442] : memref<64x257xf32, #tpu.memory_space<vmem>> -> memref<32x256xf32, #tpu.memory_space<vmem>>
        %dma_wait3A_444 = arith.constant 0 : i32
        %dma_wait3A_445 = tpu.memref_slice %arg9[%add3A_440, %dma_wait3A_444] : memref<131072x256xf32, #tpu.memory_space<hbm>> -> memref<32x256xf32, #tpu.memory_space<hbm>>
        %dma_wait3A_446 = arith.constant 0 : i32
        %dma_wait3A_447 = tpu.memref_slice %arg9[%add3A_440, %dma_wait3A_446] : memref<131072x256xf32, #tpu.memory_space<hbm>> -> memref<32x256xf32, #tpu.memory_space<hbm>>
        %dma_wait3A_448 = arith.constant 32 : i32
        %dma_wait3A_449 = arith.constant 0 : i32
        %dma_wait3A_450 = tpu.memref_slice %arg18[%dma_wait3A_448, %dma_wait3A_449] : memref<64x257xf32, #tpu.memory_space<vmem>> -> memref<32x256xf32, #tpu.memory_space<vmem>>
        tpu.wait_dma2 semaphore(%arg20 : memref<!tpu.dma_semaphore, #tpu.memory_space<semaphore_mem>>) src(%dma_wait3A_450 : memref<32x256xf32, #tpu.memory_space<vmem>>) dst(%dma_wait3A_447 : memref<32x256xf32, #tpu.memory_space<hbm>>)
      } else {
      }
      %parallel_loop3A_420 = arith.constant 0 : i32
      %parallel_loop3A_421 = arith.constant 256 : i32
      %parallel_loop3A_422 = arith.constant 1 : i32
      %parallel_loop3A_423 = arith.constant 0 : i32
      %parallel_loop3A_424 = scf.for %parallel_loop3A_436 = %parallel_loop3A_420 to %parallel_loop3A_421 step %parallel_loop3A_422 iter_args(%parallel_loop3A_437 = %parallel_loop3A_423) -> (i32)  : i32 {
        %parallel_loop3A_438 = arith.constant 16 : i32
        %parallel_loop3A_439 = arith.muli %parallel_loop3A_436, %parallel_loop3A_438 : i32
        %parallel_loop3A_440 = arith.index_cast %parallel_loop3A_439 : i32 to index
        %parallel_loop3A_441 = tpu.vector_load %arg15[%parallel_loop3A_440] {strides = array<i32>} : memref<4096xf32, #tpu.memory_space<vmem>>, vector<16xf32>,
        %parallel_loop3A_442 = arith.constant 16 : i32
        %parallel_loop3A_443 = arith.muli %parallel_loop3A_436, %parallel_loop3A_442 : i32
        %parallel_loop3A_444 = arith.index_cast %parallel_loop3A_443 : i32 to index
        %parallel_loop3A_445 = tpu.vector_load %arg16[%parallel_loop3A_444] {strides = array<i32>} : memref<4096xf32, #tpu.memory_space<vmem>>, vector<16xf32>,
        %parallel_loop3A_446 = vector.broadcast %parallel_loop3A_436 : i32 to vector<16xi32>
        %parallel_loop3A_447 = arith.constant 32 : i32
        %parallel_loop3A_448 = arith.muli %parallel_loop3A_436, %parallel_loop3A_447 : i32
        %parallel_loop3A_449 = arith.constant 0 : i32
        %parallel_loop3A_450 = arith.addi %parallel_loop3A_448, %parallel_loop3A_449 : i32
        %parallel_loop3A_451 = arith.index_cast %parallel_loop3A_450 : i32 to index
        %parallel_loop3A_452 = tpu.vector_load %arg17[%parallel_loop3A_451] {strides = array<i32>} : memref<8192xf32, #tpu.memory_space<vmem>>, vector<16xf32>,
        %parallel_loop3A_453 = arith.mulf %parallel_loop3A_452, %mul3A_360 : vector<16xf32>
        %parallel_loop3A_454 = arith.mulf %parallel_loop3A_453, %parallel_loop3A_441 : vector<16xf32>
        %parallel_loop3A_455 = arith.addf %parallel_loop3A_454, %parallel_loop3A_445 : vector<16xf32>
        tpu.vector_store_idx %arg18[%add3A_408, %parallel_loop3A_446], %parallel_loop3A_455 : memref<64x257xf32, #tpu.memory_space<vmem>>[vector<16xi32>, vector<16xi32>], vector<16xf32>,
        %parallel_loop3A_456 = arith.constant 32 : i32
        %parallel_loop3A_457 = arith.muli %parallel_loop3A_436, %parallel_loop3A_456 : i32
        %parallel_loop3A_458 = arith.constant 16 : i32
        %parallel_loop3A_459 = arith.addi %parallel_loop3A_457, %parallel_loop3A_458 : i32
        %parallel_loop3A_460 = arith.index_cast %parallel_loop3A_459 : i32 to index
        %parallel_loop3A_461 = tpu.vector_load %arg17[%parallel_loop3A_460] {strides = array<i32>} : memref<8192xf32, #tpu.memory_space<vmem>>, vector<16xf32>,
        %parallel_loop3A_462 = arith.mulf %parallel_loop3A_461, %mul3A_402 : vector<16xf32>
        %parallel_loop3A_463 = arith.mulf %parallel_loop3A_462, %parallel_loop3A_441 : vector<16xf32>
        %parallel_loop3A_464 = arith.addf %parallel_loop3A_463, %parallel_loop3A_445 : vector<16xf32>
        tpu.vector_store_idx %arg18[%add3A_414, %parallel_loop3A_446], %parallel_loop3A_464 : memref<64x257xf32, #tpu.memory_space<vmem>>[vector<16xi32>, vector<16xi32>], vector<16xf32>,
        scf.yield %parallel_loop3A_437 : i32
      } {sc.loop_unroll_factor = 2 : i64, sc.parallel_access}
      %add3A_425 = arith.addi %mul3A_2, %mul3A_236 : i32
      %dma_start3A_426 = arith.constant 32 : i32
      %dma_start3A_427 = arith.constant 0 : i32
      %dma_start3A_428 = tpu.memref_slice %arg18[%dma_start3A_426, %dma_start3A_427] : memref<64x257xf32, #tpu.memory_space<vmem>> -> memref<32x256xf32, #tpu.memory_space<vmem>>
      %dma_start3A_429 = arith.constant 0 : i32
      %dma_start3A_430 = tpu.memref_slice %arg9[%add3A_425, %dma_start3A_429] : memref<131072x256xf32, #tpu.memory_space<hbm>> -> memref<32x256xf32, #tpu.memory_space<hbm>>
      %dma_start3A_431 = arith.constant 0 : i32
      %dma_start3A_432 = tpu.memref_slice %arg9[%add3A_425, %dma_start3A_431] : memref<131072x256xf32, #tpu.memory_space<hbm>> -> memref<32x256xf32, #tpu.memory_space<hbm>>
      %dma_start3A_433 = arith.constant 32 : i32
      %dma_start3A_434 = arith.constant 0 : i32
      %dma_start3A_435 = tpu.memref_slice %arg18[%dma_start3A_433, %dma_start3A_434] : memref<64x257xf32, #tpu.memory_space<vmem>> -> memref<32x256xf32, #tpu.memory_space<vmem>>
      tpu.enqueue_dma source(%dma_start3A_435 : memref<32x256xf32, #tpu.memory_space<vmem>>) target(%dma_start3A_432 : memref<32x256xf32, #tpu.memory_space<hbm>>) target_semaphore(%arg20 : memref<!tpu.dma_semaphore, #tpu.memory_space<semaphore_mem>>)
    }
    %scan3A_7 = arith.constant 64 : i32
    %add3A_8 = arith.constant 4032 : i32
    %add3A_9 = arith.addi %mul3A_2, %add3A_8 : i32
    %dma_wait3A = arith.constant 0 : i32
    %dma_wait3A_10 = arith.constant 0 : i32
    %dma_wait3A_11 = tpu.memref_slice %arg18[%dma_wait3A, %dma_wait3A_10] : memref<64x257xf32, #tpu.memory_space<vmem>> -> memref<32x256xf32, #tpu.memory_space<vmem>>
    %dma_wait3A_12 = arith.constant 0 : i32
    %dma_wait3A_13 = tpu.memref_slice %arg9[%add3A_9, %dma_wait3A_12] : memref<131072x256xf32, #tpu.memory_space<hbm>> -> memref<32x256xf32, #tpu.memory_space<hbm>>
    %dma_wait3A_14 = arith.constant 0 : i32
    %dma_wait3A_15 = tpu.memref_slice %arg9[%add3A_9, %dma_wait3A_14] : memref<131072x256xf32, #tpu.memory_space<hbm>> -> memref<32x256xf32, #tpu.memory_space<hbm>>
    %dma_wait3A_16 = arith.constant 0 : i32
    %dma_wait3A_17 = arith.constant 0 : i32
    %dma_wait3A_18 = tpu.memref_slice %arg18[%dma_wait3A_16, %dma_wait3A_17] : memref<64x257xf32, #tpu.memory_space<vmem>> -> memref<32x256xf32, #tpu.memory_space<vmem>>
    tpu.wait_dma2 semaphore(%arg19 : memref<!tpu.dma_semaphore, #tpu.memory_space<semaphore_mem>>) src(%dma_wait3A_18 : memref<32x256xf32, #tpu.memory_space<vmem>>) dst(%dma_wait3A_15 : memref<32x256xf32, #tpu.memory_space<hbm>>)
    %add3A_19 = arith.constant 4064 : i32
    %add3A_20 = arith.addi %mul3A_2, %add3A_19 : i32
    %dma_wait3A_21 = arith.constant 32 : i32
    %dma_wait3A_22 = arith.constant 0 : i32
    %dma_wait3A_23 = tpu.memref_slice %arg18[%dma_wait3A_21, %dma_wait3A_22] : memref<64x257xf32, #tpu.memory_space<vmem>> -> memref<32x256xf32, #tpu.memory_space<vmem>>
    %dma_wait3A_24 = arith.constant 0 : i32
    %dma_wait3A_25 = tpu.memref_slice %arg9[%add3A_20, %dma_wait3A_24] : memref<131072x256xf32, #tpu.memory_space<hbm>> -> memref<32x256xf32, #tpu.memory_space<hbm>>
    %dma_wait3A_26 = arith.constant 0 : i32
    %dma_wait3A_27 = tpu.memref_slice %arg9[%add3A_20, %dma_wait3A_26] : memref<131072x256xf32, #tpu.memory_space<hbm>> -> memref<32x256xf32, #tpu.memory_space<hbm>>
    %dma_wait3A_28 = arith.constant 32 : i32
    %dma_wait3A_29 = arith.constant 0 : i32
    %dma_wait3A_30 = tpu.memref_slice %arg18[%dma_wait3A_28, %dma_wait3A_29] : memref<64x257xf32, #tpu.memory_space<vmem>> -> memref<32x256xf32, #tpu.memory_space<vmem>>
    tpu.wait_dma2 semaphore(%arg20 : memref<!tpu.dma_semaphore, #tpu.memory_space<semaphore_mem>>) src(%dma_wait3A_30 : memref<32x256xf32, #tpu.memory_space<vmem>>) dst(%dma_wait3A_27 : memref<32x256xf32, #tpu.memory_space<hbm>>)
    return
  }
}

module attributes {stable_mosaic.version = 14 : i64} {
  func.func @_fold_body(%arg0: memref<32x256xf32, #tpu.memory_space<vmem>>, %arg1: memref<512x256xf32, #tpu.memory_space<vmem>>, %arg2: memref<8x256xf32, #tpu.memory_space<vmem>>, %arg3: memref<1x256xf32, #tpu.memory_space<vmem>>, %arg4: memref<1x256xf32, #tpu.memory_space<vmem>>, %arg5: memref<32x256xf32, #tpu.memory_space<vmem>>, %arg6: memref<8x256xf32, #tpu.memory_space<vmem>>, %arg7: memref<1x256xf32, #tpu.memory_space<vmem>>) attributes {dimension_semantics = [], scalar_prefetch = 0 : i64, scratch_operands = 0 : i64, tpu.core_type = #tpu.core_type<tc>} {
    %get3A = arith.constant 0 : index
    %get3A_0 = arith.constant 0 : index
    %get3A_1 = vector.load %arg0[%get3A, %get3A_0] : memref<32x256xf32, #tpu.memory_space<vmem>>, vector<32x256xf32>
    %iota3A = tpu.iota {dimensions = array<i32: 0>} : vector<32x256xi32>
    %eq3A = arith.constant 20 : i32
    %eq3A_2 = vector.broadcast %eq3A : i32 to vector<32x256xi32>
    %eq3A_3 = arith.cmpi eq, %iota3A, %eq3A_2 : vector<32x256xi32>
    %jit3A = arith.constant 0.000000e+00 : f32
    %broadcast_in_dim3A = vector.broadcast %jit3A : f32 to vector<32x256xf32>
    %select_n3A = arith.select %eq3A_3, %broadcast_in_dim3A, %get3A_1 : vector<32x256xi1>, vector<32x256xf32>
    %get3A_4 = arith.constant 0 : index
    %get3A_5 = arith.constant 0 : index
    %get3A_6 = vector.load %arg1[%get3A_4, %get3A_5] : memref<512x256xf32, #tpu.memory_space<vmem>>, vector<256x256xf32>
    %get3A_7 = arith.constant 256 : index
    %get3A_8 = arith.constant 0 : index
    %get3A_9 = vector.load %arg1[%get3A_7, %get3A_8] : memref<512x256xf32, #tpu.memory_space<vmem>>, vector<256x256xf32>
    %dot_general3A = arith.constant dense<0.000000e+00> : vector<32x256xf32>
    %dot_general3A_10 = tpu.matmul %select_n3A, %get3A_6, %dot_general3A {dimension_numbers = #tpu.dot_dimension_numbers<[1], [0], [0], [1], [0, 0, 1, 1], [], []>, transpose_lhs_hint = false} : vector<32x256xf32>, vector<256x256xf32>, vector<32x256xf32> -> vector<32x256xf32>
    %get3A_11 = arith.constant 0 : index
    %get3A_12 = arith.constant 0 : index
    %get3A_13 = vector.load %arg2[%get3A_11, %get3A_12] : memref<8x256xf32, #tpu.memory_space<vmem>>, vector<8x256xf32>
    %dot_general3A_14 = arith.constant dense<0.000000e+00> : vector<8x256xf32>
    %dot_general3A_15 = tpu.matmul %get3A_13, %get3A_9, %dot_general3A_14 {dimension_numbers = #tpu.dot_dimension_numbers<[1], [0], [0], [1], [0, 0, 1, 1], [], []>, transpose_lhs_hint = false} : vector<8x256xf32>, vector<256x256xf32>, vector<8x256xf32> -> vector<8x256xf32>
    %get3A_16 = arith.constant 0 : index
    %get3A_17 = arith.constant 0 : index
    %get3A_18 = vector.load %arg3[%get3A_16, %get3A_17] : memref<1x256xf32, #tpu.memory_space<vmem>>, vector<1x256xf32>
    %dot_general3A_19 = arith.constant dense<0.000000e+00> : vector<1x256xf32>
    %dot_general3A_20 = tpu.matmul %get3A_18, %get3A_9, %dot_general3A_19 {dimension_numbers = #tpu.dot_dimension_numbers<[1], [0], [0], [1], [0, 0, 1, 1], [], []>, transpose_lhs_hint = false} : vector<1x256xf32>, vector<256x256xf32>, vector<1x256xf32> -> vector<1x256xf32>
    %get3A_21 = arith.constant 0 : index
    %get3A_22 = arith.constant 0 : index
    %get3A_23 = vector.load %arg4[%get3A_21, %get3A_22] : memref<1x256xf32, #tpu.memory_space<vmem>>, vector<1x256xf32>
    %add3A = arith.addf %dot_general3A_20, %get3A_23 : vector<1x256xf32>
    %reduce_sum3A = arith.constant dense<0.000000e+00> : vector<32xf32>
    %reduce_sum3A_24 = vector.multi_reduction <add>, %dot_general3A_10, %reduce_sum3A [1] : vector<32x256xf32> to vector<32xf32>
    %broadcast_in_dim3A_25 = vector.shape_cast %reduce_sum3A_24 : vector<32xf32> to vector<32x1xf32>
    %div3A = arith.constant 2.560000e+02 : f32
    %div3A_26 = vector.broadcast %div3A : f32 to vector<32x1xf32>
    %div3A_27 = arith.divf %broadcast_in_dim3A_25, %div3A_26 : vector<32x1xf32>
    %sub3A = vector.broadcast %div3A_27 : vector<32x1xf32> to vector<32x256xf32>
    %sub3A_28 = arith.subf %dot_general3A_10, %sub3A : vector<32x256xf32>
    %swap3A = arith.constant 0 : index
    %swap3A_29 = arith.constant 0 : index
    %swap3A_30 = vector.load %arg5[%swap3A, %swap3A_29] : memref<32x256xf32, #tpu.memory_space<vmem>>, vector<32x256xf32>
    tpu.vector_store %arg5[%swap3A, %swap3A_29], %sub3A_28 {strides = array<i32>} : memref<32x256xf32, #tpu.memory_space<vmem>>, vector<32x256xf32>,
    %reduce_sum3A_31 = arith.constant dense<0.000000e+00> : vector<8xf32>
    %reduce_sum3A_32 = vector.multi_reduction <add>, %dot_general3A_15, %reduce_sum3A_31 [1] : vector<8x256xf32> to vector<8xf32>
    %broadcast_in_dim3A_33 = vector.shape_cast %reduce_sum3A_32 : vector<8xf32> to vector<8x1xf32>
    %div3A_34 = arith.constant 2.560000e+02 : f32
    %div3A_35 = vector.broadcast %div3A_34 : f32 to vector<8x1xf32>
    %div3A_36 = arith.divf %broadcast_in_dim3A_33, %div3A_35 : vector<8x1xf32>
    %sub3A_37 = vector.broadcast %div3A_36 : vector<8x1xf32> to vector<8x256xf32>
    %sub3A_38 = arith.subf %dot_general3A_15, %sub3A_37 : vector<8x256xf32>
    %swap3A_39 = arith.constant 0 : index
    %swap3A_40 = arith.constant 0 : index
    %swap3A_41 = vector.load %arg6[%swap3A_39, %swap3A_40] : memref<8x256xf32, #tpu.memory_space<vmem>>, vector<8x256xf32>
    tpu.vector_store %arg6[%swap3A_39, %swap3A_40], %sub3A_38 {strides = array<i32>} : memref<8x256xf32, #tpu.memory_space<vmem>>, vector<8x256xf32>,
    %reduce_sum3A_42 = arith.constant dense<0.000000e+00> : vector<1xf32>
    %reduce_sum3A_43 = vector.multi_reduction <add>, %add3A, %reduce_sum3A_42 [1] : vector<1x256xf32> to vector<1xf32>
    %broadcast_in_dim3A_44 = vector.shape_cast %reduce_sum3A_43 : vector<1xf32> to vector<1x1xf32>
    %div3A_45 = arith.constant 2.560000e+02 : f32
    %div3A_46 = vector.broadcast %div3A_45 : f32 to vector<1x1xf32>
    %div3A_47 = arith.divf %broadcast_in_dim3A_44, %div3A_46 : vector<1x1xf32>
    %sub3A_48 = vector.broadcast %div3A_47 : vector<1x1xf32> to vector<1x256xf32>
    %sub3A_49 = arith.subf %add3A, %sub3A_48 : vector<1x256xf32>
    %swap3A_50 = arith.constant 0 : index
    %swap3A_51 = arith.constant 0 : index
    %swap3A_52 = vector.load %arg7[%swap3A_50, %swap3A_51] : memref<1x256xf32, #tpu.memory_space<vmem>>, vector<1x256xf32>
    tpu.vector_store %arg7[%swap3A_50, %swap3A_51], %sub3A_49 {strides = array<i32>} : memref<1x256xf32, #tpu.memory_space<vmem>>, vector<1x256xf32>,
    return
  }
}

</mosaic_0001>

<sc_bundles>
// kernel: kernel.4.cloned.1.call-start
scs
__scs_entry_jumppad:
0x0: {  	(pc) =	sbr.rel $0x88, $3  }
0x1: {  	(tag) =	ssettag $0x0;
	lr =	simm.s32 $0x1  }
0x2: {  	[smem:$0x3F98] =	sst lr;
	_ =	strace $0xD0000000  }
0x3: {  	_ = 	snop  }
0x4: {  	_ = 	snop  }
0x5: {  	_ = 	snop  }
0x6: {  	_ = 	snop  }
0x7: {  	_ = 	snop  }
__scs_overlays_trampoline_lowered:
0x8: {  	[smem:$0x3FA7] =	sst s0  }
0x9: {  	[smem:$0x3FA8] =	sst s1  }
0xa: {  	[smem:$0x3FA9] =	sst s2  }
0xb: {  	[smem:$0x3FAA] =	sst s3  }
0xc: {  	[smem:$0x3FAB] =	sst s4  }
0xd: {  	[smem:$0x3FAC] =	sst s5  }
0xe: {  	[smem:$0x3FAD] =	sst s6  }
0xf: {  	[smem:$0x3FAE] =	sst s7  }
0x10: {  	[smem:$0x3FAF] =	sst s8  }
0x11: {  	[smem:$0x3FB0] =	sst s9;
	s0 =	simm.s32 @!p0 $0x0  }
0x12: {  	s1 =	sld [smem:$0x3F96];
	s0 =	simm.s32 @p0 $0x1  }
0x13: {  	[smem:$0x3FB1] =	sst s0;
	s0 =	simm.s32 @!p1 $0x0  }
0x14: {  	s2 =	sld [smem:$0x3F95];
	s0 =	simm.s32 @p1 $0x1  }
0x15: {  	[smem:$0x3FB2] =	sst s0;
	s0 =	simm.s32 @!p2 $0x0  }
0x16: {  	s3 =	sld [smem:$0x3FDB];
	s0 =	simm.s32 @p2 $0x1  }
0x17: {  	s4 =	simm.s32 $0x1BF5;
	[smem:$0x3FB4] =	sst s0  }
0x18: {  	s0 =	sld [smem:$0x3F97];
	_ =	swait.ge [sflag:s4], $0x0  }
0x19: {  	s7 =	sld [smem:$0x3F98]  }
0x1a: {  	s8 =	sadd.s32 $0xFFFFE003, lr  }
0x1b: {  	s9 =	sadd.s32 $0xFFFFFEF7, lr;
	s5 =	simm.s32 $0xFFFFFFFF;
	p2 =	slt.u32 s8, $0xFFFFF086  }
0x1c: {  	p1 =	slt.u32 s9, $0xF7A;
	s5 =	simm.s32 @!p2 $0x0  }
0x1d: {  	s5 =	simm.s32 @p1 $0x1;
	p0 =	seq.s32 s7, s2  }
0x1e: {  	s7 =	smul.u32 @!p0 $0xF7A, s2;
	p2 =	seq.s32 @!p0 s5, $0x0  }
0x1f: {  	s9 =	smul.u32 $0xF7A, s1;
	s8 =	simm.s32 @!p0 $0x1BF5;
	p2 =	por !p2, p0  }
0x20: {  	[sflag:s8] =	ssyncset.s32 @!p0 $0xFFFFF086;
	s6 =	sadd.s32 @!p0 s3, s7;
	s7 =	simm.s32 @!p0 $0x108  }
0x21: {  	s3 =	sadd.s32 s3, s9;
	s6 =	sadd.s32 @!p0 $0x88, s6;
	s7 =	simm.s32 @p2 $0x1082  }
0x22: {  	[simem:s7], [sflag:s8] =	dma.local @!p0 [hbm:s6], $0xF7A  }
0x23: {  	s9 =	sor.u32 $0xD0000000, s2;
	s6 =	simm.s32 $0x108;
	_ =	swait.ge @!p0 [sflag:s8], $0x0  }
0x24: {  	s3 =	sadd.s32 $0x88, s3;
	s6 =	simm.s32 @!p1 $0x1082;
	[sflag:s4] =	ssyncset.s32 $0xFFFFF086  }
0x25: {  	[simem:s6], [sflag:s4] =	dma.local [hbm:s3], $0xF7A  }
0x26: {  	[smem:$0x3F98] =	sst s1;
	(tag) =	ssettag s2;
	_ =	strace s9  }
0x27: {  	s1 =	sld [smem:$0x3FA8]  }
0x28: {  	s2 =	sld [smem:$0x3FA9]  }
0x29: {  	s4 =	sld [smem:$0x3FAB]  }
0x2a: {  	p0 =	seq.s32 s5, $0x0;
	s5 =	sld [smem:$0x3FAC]  }
0x2b: {  	s6 =	sld [smem:$0x3FAD]  }
0x2c: {  	s7 =	sld [smem:$0x3FAE]  }
0x2d: {  	s3 =	simm.s32 $0x108;
	s8 =	sld [smem:$0x3FAF]  }
0x2e: {  	s3 =	simm.s32 @!p0 $0x1082;
	s9 =	sld [smem:$0x3FB0]  }
0x2f: {  	lr =	sadd.s32 s0, s3;
	s0 =	sld [smem:$0x3FA7]  }
0x30: {  	s3 =	sld [smem:$0x3FAA]  }
0x31: {  	[smem:$0x3FB3] =	sst s10  }
0x32: {  	s10 =	sld [smem:$0x3FB1];
	_ =	sdelay $0x3  }
0x33: {  	p0 =	seq.s32 s10, $0x1;
	s10 =	sld [smem:$0x3FB3];
	_ =	sdelay $0x3  }
0x34: {  	[smem:$0x3FB3] =	sst s10  }
0x35: {  	s10 =	sld [smem:$0x3FB2];
	_ =	sdelay $0x3  }
0x36: {  	p1 =	seq.s32 s10, $0x1;
	s10 =	sld [smem:$0x3FB3];
	_ =	sdelay $0x3  }
0x37: {  	[smem:$0x3FB3] =	sst s10  }
0x38: {  	s10 =	sld [smem:$0x3FB4]  }
0x39: {  	_ = 	snop;
	(pc) =	sbr.ind lr, $3  }
0x3a: {  	_ = 	snop  }
0x3b: {  	_ = 	snop  }
0x3c: {  	p2 =	seq.s32 s10, $0x1;
	s10 =	sld [smem:$0x3FB3]  }
0x3d: {  	_ =	shalt  }
0x3e: {  	_ =	shalt  }
0x3f: {  	_ =	shalt  }
0x40: {  	_ =	shalt  }
0x41: {  	_ =	shalt  }
0x42: {  	_ =	shalt  }
0x43: {  	_ =	shalt  }
0x44: {  	_ =	shalt  }
0x45: {  	_ =	shalt  }
0x46: {  	_ =	shalt  }
0x47: {  	_ =	shalt  }
0x48: {  	_ =	shalt  }
0x49: {  	_ =	shalt  }
0x4a: {  	_ =	shalt  }
0x4b: {  	_ =	shalt  }
0x4c: {  	_ =	shalt  }
0x4d: {  	_ =	shalt  }
0x4e: {  	_ =	shalt  }
0x4f: {  	_ =	shalt  }
0x50: {  	_ =	shalt  }
0x51: {  	_ =	shalt  }
0x52: {  	_ =	shalt  }
0x53: {  	_ =	shalt  }
0x54: {  	_ =	shalt  }
0x55: {  	_ =	shalt  }
0x56: {  	_ =	shalt  }
0x57: {  	_ =	shalt  }
0x58: {  	_ =	shalt  }
0x59: {  	_ =	shalt  }
0x5a: {  	_ =	shalt  }
0x5b: {  	_ =	shalt  }
0x5c: {  	_ =	shalt  }
0x5d: {  	_ =	shalt  }
0x5e: {  	_ =	shalt  }
0x5f: {  	_ =	shalt  }
0x60: {  	_ =	shalt  }
0x61: {  	_ =	shalt  }
0x62: {  	_ =	shalt  }
0x63: {  	_ =	shalt  }
0x64: {  	_ =	shalt  }
0x65: {  	_ =	shalt  }
0x66: {  	_ =	shalt  }
0x67: {  	_ =	shalt  }
0x68: {  	_ =	shalt  }
0x69: {  	_ =	shalt  }
0x6a: {  	_ =	shalt  }
0x6b: {  	_ =	shalt  }
0x6c: {  	_ =	shalt  }
0x6d: {  	_ =	shalt  }
0x6e: {  	_ =	shalt  }
0x6f: {  	_ =	shalt  }
0x70: {  	_ =	shalt  }
0x71: {  	_ =	shalt  }
0x72: {  	_ =	shalt  }
0x73: {  	_ =	shalt  }
0x74: {  	_ =	shalt  }
0x75: {  	_ =	shalt  }
0x76: {  	_ =	shalt  }
0x77: {  	_ =	shalt  }
0x78: {  	_ =	shalt  }
0x79: {  	_ =	shalt  }
0x7a: {  	_ =	shalt  }
0x7b: {  	_ =	shalt  }
0x7c: {  	_ =	shalt  }
0x7d: {  	_ =	shalt  }
0x7e: {  	_ =	shalt  }
0x7f: {  	_ =	shalt  }
0x80: {  	_ =	shalt  }
0x81: {  	_ =	shalt  }
0x82: {  	_ =	shalt  }
0x83: {  	_ =	shalt  }
0x84: {  	_ =	shalt  }
0x85: {  	_ =	shalt  }
0x86: {  	_ =	shalt  }
0x87: {  	_ =	shalt  }
.Lfunc_end0:
.L_simem_size_0:
called_computation_lowered:
.L_overlay_start_0:
0x88: {  	s2 =	sld [smem:$0x3FD9]  }
0x89: {  	s3 =	sld [smem:$0x3FFE];
	_ =	sdelay $0x1  }
0x8a: {  	s1 =	srdreg.scid  }
0x8b: {  	s0 =	sand.u32 $0x1, s1  }
0x8c: {  	s17 =	sshll.u32 s0, $0xA;
	s2 =	sadd.s32 s3, s2  }
0x8d: {  	s2 =	sadd.s32 s2, s17  }
0x8e: {  	[smem:$0x3FBF] =	sst s2  }
0x8f: {  	_ = 	snop  }
0x90: {  	s2 =	sld [smem:$0x3FD0];
	(tm) =	ssettm $0x1  }
0x91: {  	s18 =	sld [smem:$0x3FFB];
	_ =	sdelay $0x3  }
0x92: {  	_ =	strace s18  }
0x93: {  	s3 =	sld [smem:$0x3FFC];
	_ =	sdelay $0x3  }
0x94: {  	_ =	strace s3  }
0x95: {  	s3 =	sld [smem:$0x3FFD];
	_ =	sdelay $0x3  }
0x96: {  	_ =	strace s3  }
0x97: {  	_ =	strace $0x8FFFFFFF  }
0x98: {  	s19 =	sld [smem:$0x3FDB];
	_ =	sdelay $0x1  }
0x99: {  	s4 =	simm.s32 $_scs_section_size  }
0x9a: {  	s5 =	simm.s32 $_size__tile_overlayer_lowered;
	s6 =	simm.s32 $_tile_overlayer_lowered  }
0x9b: {  	s22 =	simm.s32 $0x1BFF;
	s21 =	sshll.u32 s6, $0x1;
	s3 =	sadd.s32 s4, s19  }
0x9c: {  	s7 =	simm.s32 $0x0;
	s20 =	sshll.u32 s5, $0x1;
	s5 =	sadd.s32 s21, s3  }
0x9d: {  	[timem:s7], [sflag:s22] =	dma.local [hbm:s5], s20  }
0x9e: {  	_ =	swait.ge [sflag:s22], s20  }
0x9f: {  	s4 =	ssub.s32 $0x0, s20;
	[sflag:s22] =	ssyncset.done $0x0  }
0xa0: {  	[sflag:s22] =	ssyncadd.s32 s4;
	_ =	sdelay $0x1  }
0xa1: {  	s23 =	simm.s32 $0x1B8B  }
0xa2: {  	_ =	swait.ge [sflag:s23], $0x1  }
0xa3: {  	[sflag:s23] =	ssyncset.done $0x0  }
0xa4: {  	s25 =	simm.s32 $0x1B8E;
	s24 =	sld [smem:$0x3FFE];
	[sflag:s23] =	ssyncadd.s32 $0xFFFFFFFF  }
0xa5: {  	s26 =	simm.s32 $execute0_lowered;
	[smem:$0x3FD2] =	sst s25  }
0xa6: {  	s5 =	sshll.u32 s26, $0x1;
	_ =	strace $0x80000046;
	[dreg:$0x1] =	wrdreg $0xFFFFFFFF  }
0xa7: {  	s28 =	simm.s32 $_size_execute0_lowered;
	s3 =	sadd.s32 s3, s5;
	[dreg:$0x0] =	wrdreg $0x0  }
0xa8: {  	s5 =	sshll.u32 s28, $0x1;
	[dreg:$0x2] =	wrdreg s3  }
0xa9: {  	[dreg:$0x3] =	wrdreg s5  }
0xaa: {  	[dreg:$0x4] =	wrdreg $0xC0  }
0xab: {  	_ =	task [dreg:s7], $0x5FFFF  }
0xac: {  	[dreg:$0x1] =	wrdreg $0xFFFFFFFF  }
0xad: {  	[dreg:$0x0] =	wrdreg $0x60  }
0xae: {  	[dreg:$0x2] =	wrdreg s24  }
0xaf: {  	[dreg:$0x3] =	wrdreg s2  }
0xb0: {  	[dreg:$0x4] =	wrdreg $0x9  }
0xb1: {  	_ =	task.clear_ibuf [dreg:s7], $0x5FFFF;
	_ =	strace $0x90000046  }
0xb2: {  	s29 =	simm.s32 $0x9;
	_ =	strace $0x80000048  }
0xb3: {  	_ =	swait.ge [sflag:s29], $0x1  }
0xb4: {  	[sflag:s29] =	ssyncadd.s32 $0xFFFFFFFF  }
0xb5: {  	_ =	strace $0x90000048  }
0xb6: {  	_ =	sfence  }
0xb7: {  	s30 =	sld [smem:$0x0];
	_ =	sdelay $0x2  }
0xb8: {  	s31 =	sshll.u32 s1, $0xD;
	s1 =	sshrl.u32 s1, $0x2  }
0xb9: {  	s3 =	sand.u32 $0x4000, s31;
	s1 =	sadd.s32 s1, s30  }
0xba: {  	s0 =	sor.u32 s3, s0;
	s1 =	sshll.u32 s1, $0x11  }
0xbb: {  	s0 =	sor.u32 s1, s0  }
0xbc: {  	s0 =	sadd.s32 $0x8F2B, s0  }
0xbd: {  	[sflag:s0] =	ssyncadd.remote.s32 $0x1  }
0xbe: {  	_ =	sfence.sel $0xFFFF  }
0xbf: {  	[dreg:$0x0] =	wrdreg $0xFFFFFFFF;
	(pc) =	sbr.abs _section_cstart, $3  }
0xc0: {  	[dreg:$0x1] =	wrdreg $0xFFFFFFFF  }
0xc1: {  	_ =	task.clear_ibuf [dreg:s7], $0x2FFFF;
	_ =	strace $0x9FFFFFFF  }
0xc2: {  	(tm) =	ssettm $0x7FFFFFFF  }
0xc3: {  	_ =	shalt  }
tec
execute0_lowered:
.L_overlay_start_1:
0x0: {  	(tag) =	ssettag $0x1  }
0x1: {  	v0 =	vimm.s32 $0xF80;
	vm14 =	vcmask $0x300  }
0x2: {  	vm13 =	vcmask $0x704;
	v0 =	vsel vm14, $0x0, v0  }
0x3: {  	vm12 =	vcmask $0xB08;
	v0 =	vsel vm13, $0x80, v0  }
0x4: {  	vm11 =	vcmask $0xF0C;
	v0 =	vsel vm12, $0x100, v0  }
0x5: {  	vm10 =	vcmask $0x1310;
	v0 =	vsel vm11, $0x180, v0  }
0x6: {  	vm9 =	vcmask $0x1714;
	v0 =	vsel vm10, $0x200, v0  }
0x7: {  	vm8 =	vcmask $0x1B18;
	v0 =	vsel vm9, $0x280, v0  }
0x8: {  	vm7 =	vcmask $0x1F1C;
	v0 =	vsel vm8, $0x300, v0  }
0x9: {  	vm6 =	vcmask $0x2320;
	v0 =	vsel vm7, $0x380, v0  }
0xa: {  	vm5 =	vcmask $0x2724;
	v0 =	vsel vm6, $0xC00, v0  }
0xb: {  	v1 =	vlaneseq.u32;
	vm4 =	vcmask $0x2B28;
	v0 =	vsel vm5, $0xC80, v0  }
0xc: {  	vm3 =	vcmask $0x2F2C;
	vm2 =	vcmask $0x3330;
	v0 =	vsel vm4, $0xD00, v0  }
0xd: {  	vm1 =	vcmask $0x3734;
	vm0 =	vcmask $0x3B38;
	v0 =	vsel vm3, $0xD80, v0  }
0xe: {  	v62 =	vimm.s32 $0x2780;
	v2 =	vimm.s32 $0x5780;
	v0 =	vsel vm2, $0xE00, v0  }
0xf: {  	v6 =	vmul.u32 $0x8, v1;
	v2 =	vsel vm14, $0x4800, v2;
	v0 =	vsel vm1, $0xE80, v0  }
0x10: {  	v63 =	vimm.s32 $0x3F80;
	v2 =	vsel vm13, $0x4880, v2;
	v0 =	vsel vm0, $0xF00, v0  }
0x11: {  	v1 =	vor.u32 $0x1, v6;
	v59 =	vor.u32 $0x2, v6;
	[tilespmem:$0x1FFD0] =	vst v0;
	v0 =	vsel vm14, $0x1800, v62  }
0x12: {  	v60 =	vor.u32 $0x3, v6;
	[tilespmem:$0x1FF90] =	vst v1;
	v1 =	vsel vm14, $0x3000, v63;
	v0 =	vsel vm13, $0x1880, v0  }
0x13: {  	s0 =	srdreg.scid;
	s1 =	rddreg [dreg:$0x0];
	v61 =	vor.u32 $0x4, v6;
	v1 =	vsel vm13, $0x3080, v1;
	v0 =	vsel vm12, $0x1900, v0  }
0x14: {  	s3 =	stileid.u32;
	s2 =	rddreg [dreg:$0x1];
	v2 =	vsel vm12, $0x4900, v2;
	v1 =	vsel vm12, $0x3100, v1;
	v0 =	vsel vm11, $0x1980, v0  }
0x15: {  	s14 =	simm.s32 $0x3000;
	s19 =	simm.s32 $0x1000;
	s20 =	simm.s32 $0xF080;
	v2 =	vsel vm11, $0x4980, v2;
	v1 =	vsel vm11, $0x3180, v1;
	v0 =	vsel vm10, $0x1A00, v0  }
0x16: {  	s25 =	simm.s32 $0x12C80;
	s28 =	simm.s32 $0x14480;
	s4 =	sshll.u32 s3, $0xD;
	v2 =	vsel vm10, $0x4A00, v2;
	v1 =	vsel vm10, $0x3200, v1;
	v0 =	vsel vm9, $0x1A80, v0  }
0x17: {  	s0 =	sand.u32 $0x1, s0;
	s7 =	sadd.s32 $0xC00, s1;
	s26 =	sadd.s32 $0x5800, s1;
	[tilespmem:$0x1FFA0] =	vst v59;
	v2 =	vsel vm9, $0x4A80, v2;
	v1 =	vsel vm9, $0x3280, v1;
	v0 =	vsel vm8, $0x1B00, v0  }
0x18: {  	s3 =	simm.s32 $0x0;
	s29 =	sadd.s32 $0x1200, s1;
	s8 =	sadd.s32 $0x1400, s1;
	[tilespmem:$0x1FFB0] =	vst v60;
	v2 =	vsel vm8, $0x4B00, v2;
	v1 =	vsel vm8, $0x3300, v1;
	v0 =	vsel vm7, $0x1B80, v0  }
0x19: {  	s5 =	sshll.u32 s0, $0xC;
	[smem:$0x7FF] =	sst s3;
	[tilespmem:$0x1FFC0] =	vst v61;
	v2 =	vsel vm7, $0x4B80, v2;
	v1 =	vsel vm7, $0x3380, v1;
	v0 =	vsel vm6, $0x2400, v0  }
0x1a: {  	s0 =	ssub.s32 $0x2, s0;
	v2 =	vsel vm6, $0x5400, v2;
	v1 =	vsel vm6, $0x3C00, v1;
	_ =	strace $0x80000047;
	[dreg:$0x3] =	wrdreg s7;
	v0 =	vsel vm5, $0x2480, v0  }
0x1b: {  	s4 =	sor.u32 s5, s4;
	s30 =	sshrl.u32 s0, $0x1;
	v2 =	vsel vm5, $0x5480, v2;
	v1 =	vsel vm5, $0x3C80, v1;
	[dreg:$0x4] =	wrdreg s26;
	v0 =	vsel vm4, $0x2500, v0  }
0x1c: {  	s5 =	sshrl.u32 s4, $0x3;
	s6 =	sadd.s32 s4, s1;
	v2 =	vsel vm4, $0x5500, v2;
	v1 =	vsel vm4, $0x3D00, v1;
	[dreg:$0x5] =	wrdreg s29;
	v0 =	vsel vm3, $0x2580, v0  }
0x1d: {  	s5 =	sadd.s32 s5, s1;
	s1 =	sadd.s32 $0x1600, s1;
	v2 =	vsel vm3, $0x5580, v2;
	v1 =	vsel vm3, $0x3D80, v1;
	[dreg:$0x6] =	wrdreg s8;
	v0 =	vsel vm2, $0x2600, v0  }
0x1e: {  	s0 =	ssub.s32 s0, s30;
	s31 =	sadd.s32 $0x1800, s5;
	v2 =	vsel vm2, $0x5600, v2;
	v1 =	vsel vm2, $0x3E00, v1;
	[dreg:$0x7] =	wrdreg s1;
	v0 =	vsel vm1, $0x2680, v0  }
0x1f: {  	s11 =	sadd.s32 $0x206200, s6;
	s0 =	smax.u32 s0, $0x1;
	v2 =	vsel vm1, $0x5680, v2;
	[dreg:$0x8] =	wrdreg s31;
	v1 =	vsel vm1, $0x3E80, v1;
	[tilespmem:$0x1FFF0] =	vst v6;
	v0 =	vsel vm0, $0x2700, v0  }
0x20: {  	s5 =	simm.s32 $0x0;
	v8 =	vsel vm0, $0x5700, v2;
	[dreg:$0x9] =	wrdreg s0;
	s26 =	simm.s32 $0x13880;
	v7 =	vsel vm0, $0x3F00, v1;
	[tilespmem:$0x1FFE0] =	vst v0  }
.LBB2_1:
0x21: {  	[dreg:$0xa] =	wrdreg s5  }
0x22: {  	s0 =	rddreg [dreg:$0x8];
	s1 =	simm.s32 $0x3  }
0x23: {  	[tilespmem:s3], [sflag:$0x3] =	stream.linear.gather [hbm4b:s0+s3], $0x1000, $0x38;
	[tilespmem:$0x15080] =	vst v63  }
0x24: {  	_ =	swait.ge [sflag:s1], $0x1000  }
0x25: {  	[sflag:s1] =	ssyncset.done $0x0  }
0x26: {  	s17 =	rddreg [dreg:$0x3];
	[sflag:s1] =	ssyncadd.s32 $0xFFFFF000  }
0x27: {  	[tilespmem:s14], [sflag:$0x3] =	stream.linear.gather [hbm4b:s17+s3], $0x2080, $0x38;
	[tilespmem:$0x15080] =	vst v63  }
0x28: {  	_ =	swait.ge [sflag:s1], $0x2080  }
0x29: {  	[sflag:s1] =	ssyncset.done $0x0  }
0x2a: {  	s21 =	simm.s32 $0x5080;
	s18 =	rddreg [dreg:$0x4];
	[sflag:s1] =	ssyncadd.s32 $0xFFFFDF80  }
0x2b: {  	[tilespmem:s21], [sflag:$0x3] =	stream.linear.gather [hbm4b:s18+s3], $0x5000, $0x38;
	[tilespmem:$0x15080] =	vst v63  }
0x2c: {  	_ =	swait.ge [sflag:s1], $0x5000  }
0x2d: {  	[sflag:s1] =	ssyncset.done $0x0  }
0x2e: {  	s23 =	simm.s32 $0xA080;
	s22 =	rddreg [dreg:$0x5];
	[sflag:s1] =	ssyncadd.s32 $0xFFFFB000  }
0x2f: {  	[tilespmem:s23], [sflag:$0x3] =	stream.linear.gather [hbm4b:s22+s3], $0x1000, $0x38;
	[tilespmem:$0x15080] =	vst v63  }
0x30: {  	_ =	swait.ge [sflag:s1], $0x1000  }
0x31: {  	[sflag:s1] =	ssyncset.done $0x0  }
0x32: {  	s29 =	simm.s32 $0xB080;
	s24 =	rddreg [dreg:$0x6];
	[sflag:s1] =	ssyncadd.s32 $0xFFFFF000  }
0x33: {  	[tilespmem:s29], [sflag:$0x3] =	stream.linear.gather [hbm4b:s24+s3], $0x1000, $0x38;
	[tilespmem:$0x15080] =	vst v63  }
0x34: {  	_ =	swait.ge [sflag:s1], $0x1000  }
0x35: {  	[sflag:s1] =	ssyncset.done $0x0  }
0x36: {  	s31 =	simm.s32 $0xC080;
	s30 =	rddreg [dreg:$0x7];
	[sflag:s1] =	ssyncadd.s32 $0xFFFFF000  }
0x37: {  	[tilespmem:s31], [sflag:$0x3] =	stream.linear.gather [hbm4b:s30+s3], $0x1000, $0x38;
	[tilespmem:$0x15080] =	vst v63  }
0x38: {  	_ =	swait.ge [sflag:s1], $0x1000  }
0x39: {  	[sflag:s1] =	ssyncset.done $0x0  }
0x3a: {  	[sflag:s1] =	ssyncadd.s32 $0xFFFFF000;
	s1 =	simm.s32 $0x0  }
.LBB2_2:
0x3b: {  	s0 =	sand.u32 $0xF, s1  }
0x3c: {  	p0 =	sne.s32 s0, $0x0;
	s0 =	sshll.u32 s1, $0x6  }
0x3d: {  	s5 =	sadd.s32 @!p0 s0, s11;
	s6 =	simm.s32 @!p0 $0x0;
	s7 =	simm.s32 @!p0 $0x1000  }
0x3e: {  	[tilespmem:s7], [sflag:$0x3] =	stream.linear.gather @!p0 [hbm4b:s5+s6], $0x2000, $0x38;
	[tilespmem:$0x15080] =	vst v63  }
0x3f: {  	s6 =	simm.s32 @!p0 $0x3  }
0x40: {  	_ =	swait.ge @!p0 [sflag:s6], $0x2000  }
0x41: {  	v4 =	vld [tilespmem:$0x1FF90]  }
0x42: {  	v5 =	vld [tilespmem:$0x1FFA0]  }
0x43: {  	[sflag:s6] =	ssyncset.done @!p0 $0x0;
	v24 =	vld [tilespmem:$0x1FFB0]  }
0x44: {  	v35 =	vld [tilespmem:$0x1FFC0];
	[sflag:s6] =	ssyncadd.s32 @!p0 $0xFFFFE000  }
0x45: {  	s10 =	simm.s32 $0x50A0;
	s12 =	simm.s32 $0x0;
	v14 =	vld [tilespmem:s0+$0x0]  }
0x46: {  	s23 =	sand.u32 $0xFC0, s12;
	v23 =	vld [tilespmem:s10+$0xFFFFFFE0]  }
0x47: {  	s22 =	sshll.u32 s1, $0x9;
	v25 =	vld [tilespmem:s23+$0x9080]  }
0x48: {  	s8 =	simm.s32 $0x20;
	s5 =	sand.u32 $0x1E00, s22;
	v29 =	vld [tilespmem:s23+$0x6080]  }
0x49: {  	s13 =	sand.u32 $0xFE0, s8;
	v0 =	vor.u32 s5, v6;
	v30 =	vld [tilespmem:s23+$0x7080]  }
0x4a: {  	v27 =	vld [tilespmem:s13+$0x6080]  }
0x4b: {  	v32 =	vld [tilespmem:s13+$0x7080];
	v1 =	vor.u32 s5, v4  }
0x4c: {  	v33 =	vld [tilespmem:s13+$0x8080];
	v2 =	vor.u32 s5, v5  }
0x4d: {  	v34 =	vld [tilespmem:s13+$0x9080];
	v3 =	vor.u32 s5, v24  }
0x4e: {  	v13 =	vld.idx.msk [tilespmem:v0+s19+$0x0], $0xffff;
	v9 =	vor.u32 s5, v35  }
0x4f: {  	v0 =	vld [tilespmem:s0+$0x10]  }
0x50: {  	v20 =	vmul.u32 $0x101, v14;
	v10 =	vld.idx.msk [tilespmem:v1+s19+$0x0], $0xffff  }
0x51: {  	s24 =	simm.s32 $0x2;
	v11 =	vld.idx.msk [tilespmem:v2+s19+$0x0], $0xffff  }
0x52: {  	v15 =	vadd.s32 s24, v20;
	v12 =	vld.idx.msk [tilespmem:v3+s19+$0x0], $0xffff  }
0x53: {  	v9 =	vld.idx.msk [tilespmem:v9+s19+$0x0], $0xffff  }
0x54: {  	s9 =	simm.s32 $0xA0A0;
	v3 =	vld [tilespmem:s10+$0x0]  }
0x55: {  	v1 =	vld [tilespmem:s9+$0x0]  }
0x56: {  	v2 =	vld [tilespmem:s9+$0xFFFFFFE0]  }
0x57: {  	s5 =	sor.u32 $0x80, s5;
	v14 =	vmul.u32 $0x101, v0;
	v0 =	vld.idx.msk [tilespmem:v15+s14+$0x0], $0xffff  }
0x58: {  	v16 =	vor.u32 s5, v4;
	v21 =	vor.u32 s5, v5;
	v19 =	vmul.f32 v23, v13;
	v18 =	vld.idx.msk [tilespmem:v20+s14+$0x0], $0xffff  }
0x59: {  	s6 =	simm.s32 $0x50E0;
	v31 =	vld [tilespmem:s23+$0x8080];
	v24 =	vor.u32 s5, v24;
	v17 =	vmul.f32 v3, v13;
	v28 =	vmul.f32 v27, v10  }
0x5a: {  	s7 =	simm.s32 $0x40;
	v63 =	vld [tilespmem:s6+$0x0];
	v35 =	vor.u32 s5, v35;
	v36 =	vmul.f32 v32, v11;
	v37 =	vmul.f32 v33, v12  }
0x5b: {  	s15 =	sand.u32 $0xFC0, s7;
	v57 =	vld [tilespmem:s6+$0xFFFFFFE0];
	v54 =	vadd.s32 s24, v14;
	v15 =	vor.u32 s5, v6;
	v17 =	vadd.f32 v28, v17  }
0x5c: {  	v44 =	vld [tilespmem:s15+$0x6080];
	v39 =	vmul.f32 v34, v9;
	v28 =	vadd.f32 v37, v36;
	v0 =	vadd.f32 v0, v1  }
0x5d: {  	v45 =	vld [tilespmem:s15+$0x7080];
	v22 =	vmul.f32 v29, v10;
	v26 =	vmul.f32 v30, v11;
	v53 =	vadd.f32 v18, v2  }
0x5e: {  	v38 =	vmul.f32 v31, v12;
	v18 =	vld.idx.msk [tilespmem:v16+s19+$0x0], $0xffff;
	v28 =	vadd.f32 v28, v17;
	v0 =	vadd.f32 v0, v39  }
0x5f: {  	v22 =	vadd.f32 v22, v19;
	v16 =	vld.idx.msk [tilespmem:v21+s19+$0x0], $0xffff  }
0x60: {  	v19 =	vld.idx.msk [tilespmem:v15+s19+$0x0], $0xffff;
	v15 =	vadd.f32 v38, v26;
	v26 =	vmul.f32 v25, v9;
	v21 =	vadd.f32 v0, v28  }
0x61: {  	s17 =	simm.s32 $0xD0C0;
	v17 =	vld.idx.msk [tilespmem:v24+s19+$0x0], $0xffff  }
0x62: {  	s13 =	simm.s32 $0x6;
	v22 =	vadd.f32 v15, v22;
	v26 =	vadd.f32 v53, v26;
	v15 =	vld.idx.msk [tilespmem:v35+s19+$0x0], $0xffff;
	[tilespmem:s17+$0x0] =	vst v21  }
0x63: {  	v56 =	vadd.s32 s13, v20;
	s5 =	simm.s32 $0xA0E0;
	v0 =	vld.idx.msk [tilespmem:v54+s14+$0x0], $0xffff  }
0x64: {  	v24 =	vld [tilespmem:s5+$0xFFFFFFE0];
	v22 =	vadd.f32 v26, v22  }
0x65: {  	v26 =	vld [tilespmem:s5+$0x0];
	v58 =	vmul.f32 v27, v18;
	v3 =	vmul.f32 v3, v19  }
0x66: {  	v27 =	vld [tilespmem:s15+$0x9080];
	v32 =	vmul.f32 v32, v16;
	v33 =	vmul.f32 v33, v17;
	[tilespmem:s17+$0xFFFFFFC0] =	vst v22  }
0x67: {  	v28 =	vadd.s32 $0x4, v20;
	v55 =	vld.idx.msk [tilespmem:v14+s14+$0x0], $0xffff;
	v3 =	vadd.f32 v58, v3  }
0x68: {  	s16 =	simm.s32 $0x60;
	v32 =	vadd.f32 v33, v32;
	v60 =	vmul.f32 v34, v15;
	v34 =	vld.idx.msk [tilespmem:v56+s14+$0x0], $0xffff;
	v0 =	vadd.f32 v0, v1  }
0x69: {  	v59 =	vadd.s32 s12, v28;
	v1 =	vld [tilespmem:s15+$0x8080];
	s15 =	sand.u32 $0xFE0, s16  }
0x6a: {  	s8 =	simm.s32 $0x3;
	v3 =	vadd.f32 v32, v3;
	v35 =	vld [tilespmem:s15+$0x9080];
	v0 =	vadd.f32 v0, v60  }
0x6b: {  	v62 =	vadd.s32 s8, v20;
	v30 =	vmul.f32 v30, v16;
	v31 =	vmul.f32 v31, v17;
	v48 =	vld [tilespmem:s15+$0x6080]  }
0x6c: {  	v29 =	vmul.f32 v29, v18;
	v61 =	vmul.f32 v23, v19;
	s16 =	simm.s32 $0x40;
	v42 =	vld [tilespmem:s15+$0x7080];
	v23 =	vadd.f32 v0, v3  }
0x6d: {  	v30 =	vadd.f32 v31, v30;
	v25 =	vmul.f32 v25, v15;
	s16 =	sor.u32 $0x50, s16;
	v43 =	vld [tilespmem:s15+$0x8080]  }
0x6e: {  	v2 =	vadd.f32 v55, v2;
	v0 =	vadd.f32 v29, v61;
	v3 =	vld.idx.msk [tilespmem:v59+s14+$0x0], $0xffff;
	[tilespmem:s16+$0xD080] =	vst v23  }
0x6f: {  	s18 =	simm.s32 $0x1;
	v36 =	vmul.f32 v63, v13;
	v52 =	vmul.f32 v45, v16;
	v29 =	vld [tilespmem:s9+$0x10]  }
0x70: {  	s21 =	simm.s32 $0x30;
	v31 =	vadd.s32 s18, v20;
	v2 =	vadd.f32 v2, v25;
	v0 =	vadd.f32 v30, v0;
	v32 =	vld.idx.msk [tilespmem:v62+s14+$0x0], $0xffff  }
0x71: {  	v51 =	vadd.s32 s18, v14;
	v46 =	vmul.f32 v63, v19;
	v63 =	vmul.f32 v45, v11;
	s16 =	sand.u32 $0xFF0, s21;
	v41 =	vld [tilespmem:s10+$0x10]  }
0x72: {  	v56 =	vmul.f32 v44, v18;
	v55 =	vmul.f32 v57, v19;
	v38 =	vld [tilespmem:s16+$0x6080];
	v30 =	vadd.f32 v2, v0  }
0x73: {  	v33 =	vadd.s32 $0x4, v14;
	v54 =	vmul.f32 v1, v17;
	v1 =	vmul.f32 v1, v12;
	v39 =	vld [tilespmem:s16+$0x7080]  }
0x74: {  	v58 =	vadd.s32 s13, v14;
	v60 =	vmul.f32 v48, v10;
	v61 =	vmul.f32 v42, v11;
	v40 =	vld [tilespmem:s16+$0x8080];
	[tilespmem:s17+$0xFFFFFFD0] =	vst v30  }
0x75: {  	s22 =	simm.s32 $0x10;
	v34 =	vadd.f32 v34, v26;
	v0 =	vmul.f32 v57, v13;
	v2 =	vmul.f32 v44, v10;
	v31 =	vld.idx.msk [tilespmem:v31+s14+$0x0], $0xffff  }
0x76: {  	s23 =	sand.u32 $0xFD0, s22;
	v25 =	vimm.f32 $0.0e+00;
	v53 =	vmul.f32 v43, v12;
	v59 =	vmul.f32 v48, v18;
	v47 =	vld [tilespmem:s10+$0xFFFFFFF0]  }
0x77: {  	v1 =	vadd.f32 v1, v63;
	v0 =	vadd.f32 v2, v0;
	v2 =	vmul.f32 v35, v9;
	v50 =	vld [tilespmem:s23+$0x6080]  }
0x78: {  	v62 =	vmul.f32 v27, v9;
	v36 =	vadd.f32 v60, v36;
	v63 =	vadd.f32 v53, v61;
	v49 =	vld [tilespmem:s23+$0x7080]  }
0x79: {  	v57 =	vadd.s32 s12, v33;
	v3 =	vadd.f32 v3, v24;
	v53 =	vld [tilespmem:s23+$0x8080];
	v2 =	vadd.f32 v34, v2  }
0x7a: {  	v45 =	vld [tilespmem:s9+$0xFFFFFFF0];
	v0 =	vadd.f32 v1, v0;
	v1 =	vadd.f32 v63, v36;
	v34 =	vmul.f32 v41, v13  }
0x7b: {  	v48 =	vld [tilespmem:s23+$0x9080];
	v3 =	vadd.f32 v3, v62;
	v61 =	vmul.f32 v38, v10;
	v62 =	vmul.f32 v39, v11  }
0x7c: {  	v44 =	vld [tilespmem:s16+$0x9080];
	v60 =	vadd.f32 v32, v29;
	v32 =	vimm.f32 $0.0e+00;
	v36 =	vadd.f32 v2, v1  }
0x7d: {  	v37 =	vadd.f32 v3, v0;
	v1 =	vmul.f32 v47, v13;
	v2 =	vmul.f32 v50, v10  }
0x7e: {  	s30 =	simm.s32 $0x60;
	v61 =	vadd.f32 v61, v34;
	v3 =	vmul.f32 v49, v11;
	v4 =	vmul.f32 v53, v12  }
0x7f: {  	s29 =	simm.s32 $0x4;
	s31 =	simm.s32 $0x8;
	s24 =	simm.s32 $0x20;
	v34 =	vimm.f32 $0.0e+00;
	v63 =	vadd.f32 v31, v45;
	v31 =	vmul.f32 v40, v12  }
0x80: {  	s18 =	simm.s32 $0xD140;
	s15 =	sor.u32 $0x70, s30;
	s16 =	sor.u32 $0x30, s24;
	v0 =	vadd.f32 v2, v1;
	v1 =	vadd.f32 v4, v3;
	v3 =	vmul.f32 v48, v9  }
0x81: {  	s12 =	simm.s32 $0x40;
	s9 =	simm.s32 $0xA0E0;
	s10 =	simm.s32 $0x50E0;
	v62 =	vadd.f32 v31, v62;
	v2 =	vmul.f32 v44, v9;
	v31 =	vimm.f32 $0.0e+00  }
.LBB2_3:
0x82: {  	p0 =	slt.u32 s31, $0xFC;
	[tilespmem:s18+$0x0] =	vst v36;
	v4 =	vmul.f32 v42, v16;
	v3 =	vadd.f32 v63, v3;
	v0 =	vadd.f32 v1, v0  }
0x83: {  	v1 =	vadd.f32 v56, v55;
	v55 =	vadd.s32 s8, v14;
	[tilespmem:s18+$0xFFFFFFC0] =	vst v37;
	v42 =	vld.idx.msk [tilespmem:v58+s14+$0x0], $0xffff;
	v2 =	vadd.f32 v60, v2  }
0x84: {  	v43 =	vmul.f32 v43, v17;
	s5 =	sadd.s32 $0x40, s5;
	v56 =	vld.idx.msk [tilespmem:v57+s14+$0x0], $0xffff;
	v0 =	vadd.f32 v3, v0;
	v3 =	vadd.f32 v62, v61  }
0x85: {  	v52 =	vadd.f32 v54, v52;
	v46 =	vadd.f32 v59, v46;
	v57 =	vld [tilespmem:s5+$0x0]  }
0x86: {  	s13 =	sadd.s32 $0x2, s31;
	s8 =	sadd.s32 $0x3, s29;
	v58 =	vadd.s32 s29, v28;
	v4 =	vadd.f32 v43, v4;
	v54 =	vld [tilespmem:s5+$0xFFFFFFE0];
	[tilespmem:s17+$0xFFFFFFE0] =	vst v0;
	v2 =	vadd.f32 v2, v3  }
0x87: {  	v35 =	vmul.f32 v35, v15;
	s6 =	sadd.s32 $0x40, s6;
	v59 =	vadd.s32 s8, v20;
	v3 =	vadd.s32 s13, v20;
	v43 =	vld.idx.msk [tilespmem:v51+s14+$0x0], $0xffff  }
0x88: {  	v41 =	vmul.f32 v41, v19;
	v1 =	vadd.f32 v52, v1;
	v4 =	vadd.f32 v4, v46;
	v51 =	vld [tilespmem:s6+$0x0];
	[tilespmem:s17+$0x20] =	vst v2;
	s17 =	smov.u32 s18  }
0x89: {  	s7 =	sadd.s32 $0x40, s7;
	v46 =	vmul.f32 v47, v19;
	v47 =	vmul.f32 v50, v18;
	v42 =	vadd.f32 v42, v26;
	v50 =	vld.idx.msk [tilespmem:v55+s14+$0x0], $0xffff  }
0x8a: {  	v49 =	vmul.f32 v49, v16;
	v53 =	vmul.f32 v53, v17;
	s21 =	sand.u32 $0xFC0, s7;
	v55 =	vadd.f32 v56, v24;
	v52 =	vld [tilespmem:s6+$0xFFFFFFE0];
	v26 =	vmovc v57  }
0x8b: {  	v57 =	vadd.f32 v42, v35;
	v35 =	vmul.f32 v38, v18;
	v38 =	vmul.f32 v39, v16;
	v56 =	vld [tilespmem:s21+$0x9080];
	v24 =	vmovc v54  }
0x8c: {  	v40 =	vmul.f32 v40, v17;
	v39 =	vadd.f32 v47, v46;
	v42 =	vadd.f32 v53, v49;
	v60 =	vld [tilespmem:s21+$0x6080]  }
0x8d: {  	v43 =	vadd.f32 v43, v45;
	v45 =	vmul.f32 v48, v15;
	v41 =	vadd.f32 v35, v41;
	v47 =	vld [tilespmem:s21+$0x7080]  }
0x8e: {  	v5 =	vmul.f32 v27, v15;
	v39 =	vadd.f32 v42, v39;
	v38 =	vadd.f32 v40, v38;
	v48 =	vld [tilespmem:s21+$0x8080];
	s21 =	sadd.s32 $0x20, s7  }
0x8f: {  	v42 =	vmul.f32 v44, v15;
	v40 =	vadd.f32 v43, v45;
	v29 =	vadd.f32 v50, v29;
	s21 =	sand.u32 $0xFE0, s21;
	v3 =	vld.idx.msk [tilespmem:v3+s14+$0x0], $0xffff  }
0x90: {  	v44 =	vadd.f32 v55, v5;
	v45 =	vmul.f32 v21, v21;
	v38 =	vadd.f32 v38, v41;
	v35 =	vld [tilespmem:s21+$0x9080];
	v27 =	vmovc v56  }
0x91: {  	s30 =	sadd.s32 $0x80, s30;
	v41 =	vmul.f32 v22, v22;
	v21 =	vmovc v36;
	v39 =	vadd.f32 v40, v39;
	v29 =	vadd.f32 v29, v42;
	v61 =	vld [tilespmem:s21+$0x6080]  }
0x92: {  	v30 =	vmul.f32 v30, v30;
	s22 =	sadd.s32 $0xFFFFFFC0, s30;
	s23 =	sadd.s32 $0xFFFFFFE0, s30;
	s24 =	sor.u32 $0x70, s30;
	v36 =	vmul.f32 v23, v23;
	v23 =	vadd.f32 v57, v4;
	v22 =	vmovc v37;
	v42 =	vld [tilespmem:s21+$0x7080]  }
0x93: {  	s22 =	sor.u32 $0x30, s22;
	s23 =	sor.u32 $0x50, s23;
	v0 =	vmul.f32 v0, v0;
	v37 =	vmul.f32 v39, v39;
	v38 =	vadd.f32 v29, v38;
	v4 =	vld.idx.msk [tilespmem:v58+s14+$0x0], $0xffff  }
0x94: {  	v30 =	vadd.f32 v30, v34;
	v2 =	vmul.f32 v2, v2;
	v25 =	vadd.f32 v41, v25;
	v43 =	vld [tilespmem:s21+$0x8080];
	[tilespmem:s23+$0xD080] =	vst v23  }
0x95: {  	v0 =	vadd.f32 v0, v32;
	s21 =	sadd.s32 $0x1, s29;
	v31 =	vadd.f32 v37, v31;
	v37 =	vmul.f32 v38, v38;
	v29 =	vld [tilespmem:s9+$0x10];
	[tilespmem:s15+$0xD080] =	vst v38;
	s15 =	smov.u32 s24  }
0x96: {  	v34 =	vadd.f32 v36, v30;
	v25 =	vadd.f32 v45, v25;
	s23 =	sadd.s32 $0x30, s12;
	v49 =	vadd.s32 s21, v20;
	v62 =	vld.idx.msk [tilespmem:v59+s14+$0x0], $0xffff;
	[tilespmem:s16+$0xD080] =	vst v39;
	s16 =	smov.u32 s22  }
0x97: {  	v32 =	vadd.f32 v2, v0;
	v46 =	vmul.f32 v51, v19;
	s22 =	sand.u32 $0xFF0, s23;
	v31 =	vadd.f32 v37, v31;
	v41 =	vld [tilespmem:s10+$0x10]  }
0x98: {  	v0 =	vmul.f32 v51, v13;
	v55 =	vmul.f32 v52, v19;
	v30 =	vadd.f32 v44, v1;
	v38 =	vld [tilespmem:s22+$0x6080]  }
0x99: {  	v1 =	vmul.f32 v52, v13;
	v56 =	vmul.f32 v60, v18;
	v39 =	vld [tilespmem:s22+$0x7080]  }
0x9a: {  	v57 =	vadd.s32 s29, v33;
	v52 =	vmul.f32 v47, v16;
	v54 =	vmul.f32 v48, v17;
	s29 =	smov.u32 s31;
	[tilespmem:s18+$0xFFFFFFD0] =	vst v30;
	v40 =	vld [tilespmem:s22+$0x8080]  }
0x9b: {  	v2 =	vmul.f32 v60, v10;
	v36 =	vmul.f32 v47, v11;
	v51 =	vadd.s32 s21, v14;
	s23 =	sadd.s32 $0x10, s12;
	s12 =	smov.u32 s7;
	v60 =	vld.idx.msk [tilespmem:v49+s14+$0x0], $0xffff  }
0x9c: {  	v58 =	vadd.s32 s13, v14;
	v37 =	vmul.f32 v48, v12;
	v44 =	vmul.f32 v61, v10;
	s13 =	sand.u32 $0xFD0, s23;
	v47 =	vld [tilespmem:s10+$0xFFFFFFF0];
	s10 =	smov.u32 s6  }
0x9d: {  	v3 =	vadd.f32 v3, v26;
	v45 =	vmul.f32 v42, v11;
	v48 =	vmul.f32 v43, v12;
	v50 =	vld [tilespmem:s13+$0x6080]  }
0x9e: {  	v1 =	vadd.f32 v2, v1;
	v2 =	vadd.f32 v37, v36;
	v36 =	vmul.f32 v35, v9;
	v49 =	vld [tilespmem:s13+$0x7080]  }
0x9f: {  	v37 =	vmul.f32 v27, v9;
	v0 =	vadd.f32 v44, v0;
	v44 =	vadd.f32 v48, v45;
	v53 =	vld [tilespmem:s13+$0x8080]  }
0xa0: {  	v59 =	vmul.f32 v61, v18;
	v4 =	vadd.f32 v4, v24;
	v3 =	vadd.f32 v3, v36;
	v45 =	vld [tilespmem:s9+$0xFFFFFFF0];
	s9 =	smov.u32 s5  }
0xa1: {  	v1 =	vadd.f32 v2, v1;
	v2 =	vmul.f32 v41, v13;
	v0 =	vadd.f32 v44, v0;
	v48 =	vld [tilespmem:s13+$0x9080]  }
0xa2: {  	v4 =	vadd.f32 v4, v37;
	v61 =	vmul.f32 v38, v10;
	v5 =	vmul.f32 v39, v11;
	v44 =	vld [tilespmem:s22+$0x9080]  }
.Ltmp0:
0xa3: {  	v36 =	vadd.f32 v3, v0;
	v0 =	vmul.f32 v47, v13;
	v3 =	vmul.f32 v50, v10;
	(pc) =	sbr.rel @p0 .LBB2_3-.Ltmp0, $4  }
0xa4: {  	v37 =	vadd.f32 v4, v1;
	v1 =	vmul.f32 v49, v11;
	v4 =	vmul.f32 v53, v12  }
0xa5: {  	v63 =	vadd.f32 v60, v45;
	v60 =	vadd.f32 v62, v29;
	v62 =	vmul.f32 v40, v12  }
0xa6: {  	v0 =	vadd.f32 v3, v0;
	v1 =	vadd.f32 v4, v1;
	v3 =	vmul.f32 v48, v9  }
0xa7: {  	s31 =	sadd.s32 $0x4, s31;
	s18 =	sadd.s32 $0x80, s18;
	v61 =	vadd.f32 v61, v2;
	v62 =	vadd.f32 v62, v5;
	v2 =	vmul.f32 v44, v9  }
0xa8: {  	_ =	sdelay $0x2  }
0xa9: {  	[tilespmem:s18+$0x0] =	vst v36  }
0xaa: {  	v4 =	vld.idx.msk [tilespmem:v58+s14+$0x0], $0xffff;
	_ =	sdelay $0x1  }
0xab: {  	v5 =	vmul.f32 v42, v16  }
0xac: {  	v3 =	vadd.f32 v63, v3;
	v0 =	vadd.f32 v1, v0;
	[tilespmem:s18+$0xFFFFFFC0] =	vst v37;
	v28 =	vmul.f32 v43, v17  }
0xad: {  	v59 =	vadd.f32 v59, v46;
	v2 =	vadd.f32 v60, v2;
	v33 =	vld.idx.msk [tilespmem:v57+s14+$0x0], $0xffff  }
0xae: {  	v5 =	vadd.f32 v28, v5;
	v28 =	vmul.f32 v35, v15;
	v4 =	vadd.f32 v4, v26  }
0xaf: {  	v60 =	vadd.f32 v62, v61;
	v0 =	vadd.f32 v3, v0;
	v26 =	vadd.s32 s8, v14  }
0xb0: {  	s6 =	sadd.s32 $0x3, s29;
	v5 =	vadd.f32 v5, v59;
	v4 =	vadd.f32 v4, v28  }
0xb1: {  	s5 =	sadd.s32 $0x80, s30;
	v61 =	vadd.s32 s6, v20;
	v2 =	vadd.f32 v2, v60  }
0xb2: {  	v27 =	vmul.f32 v27, v15;
	s7 =	sadd.s32 $0xFFFFFFE0, s5;
	[tilespmem:s17+$0xFFFFFFE0] =	vst v0;
	v33 =	vadd.f32 v33, v24;
	v24 =	vadd.f32 v4, v5  }
0xb3: {  	v58 =	vadd.f32 v56, v55;
	s23 =	sor.u32 $0x50, s7;
	[tilespmem:s17+$0x20] =	vst v2;
	v28 =	vadd.f32 v54, v52;
	v4 =	vld.idx.msk [tilespmem:v51+s14+$0x0], $0xffff  }
0xb4: {  	s24 =	sadd.s32 $0x1, s29;
	v5 =	vld.idx.msk [tilespmem:v26+s14+$0x0], $0xffff;
	[tilespmem:s23+$0xD080] =	vst v24  }
0xb5: {  	v20 =	vadd.s32 s24, v20;
	v1 =	vadd.f32 v28, v58;
	v26 =	vadd.f32 v33, v27;
	v28 =	vld [tilespmem:s9+$0x10]  }
0xb6: {  	v63 =	vmul.f32 v50, v18;
	s29 =	sadd.s32 $0x30, s12;
	v3 =	vld.idx.msk [tilespmem:v61+s14+$0x0], $0xffff  }
0xb7: {  	v39 =	vmul.f32 v39, v16;
	v22 =	vmul.f32 v22, v22;
	s8 =	sand.u32 $0xFF0, s29;
	v1 =	vadd.f32 v26, v1;
	v42 =	vld [tilespmem:s10+$0x10]  }
0xb8: {  	v62 =	vmul.f32 v47, v19;
	v47 =	vmul.f32 v40, v17;
	v43 =	vld [tilespmem:s8+$0x6080]  }
0xb9: {  	v46 =	vmul.f32 v53, v17;
	v22 =	vadd.f32 v22, v25;
	v0 =	vmul.f32 v0, v0;
	v25 =	vld [tilespmem:s8+$0x8080];
	[tilespmem:s18+$0xFFFFFFD0] =	vst v1  }
0xba: {  	v38 =	vmul.f32 v38, v18;
	s30 =	sadd.s32 $0x10, s12;
	v50 =	vadd.f32 v47, v39;
	v26 =	vmul.f32 v49, v16;
	v20 =	vld.idx.msk [tilespmem:v20+s14+$0x0], $0xffff  }
0xbb: {  	s31 =	sand.u32 $0xFD0, s30;
	v0 =	vadd.f32 v0, v32;
	v27 =	vmul.f32 v41, v19;
	v33 =	vadd.f32 v63, v62;
	v49 =	vld [tilespmem:s10+$0xFFFFFFF0]  }
0xbc: {  	v48 =	vmul.f32 v48, v15;
	v26 =	vadd.f32 v46, v26;
	v4 =	vadd.f32 v4, v45;
	v51 =	vld [tilespmem:s31+$0x6080]  }
0xbd: {  	v27 =	vadd.f32 v38, v27;
	v5 =	vadd.f32 v5, v29;
	v29 =	vmul.f32 v44, v15;
	v52 =	vld [tilespmem:s31+$0x7080]  }
0xbe: {  	v2 =	vmul.f32 v2, v2;
	v53 =	vld [tilespmem:s31+$0x8080];
	v26 =	vadd.f32 v26, v33;
	v4 =	vadd.f32 v4, v48  }
0xbf: {  	v27 =	vadd.f32 v50, v27;
	v5 =	vadd.f32 v5, v29;
	v29 =	vmul.f32 v30, v30;
	v30 =	vld [tilespmem:s31+$0x9080]  }
0xc0: {  	v4 =	vadd.f32 v4, v26;
	v26 =	vld [tilespmem:s9+$0xFFFFFFF0]  }
0xc1: {  	v21 =	vmul.f32 v21, v21;
	v0 =	vadd.f32 v2, v0;
	v5 =	vadd.f32 v5, v27;
	v27 =	vld [tilespmem:s8+$0x7080]  }
0xc2: {  	v63 =	vadd.s32 s24, v14;
	v57 =	vld [tilespmem:s8+$0x9080];
	v55 =	vmul.f32 v49, v13;
	v56 =	vmul.f32 v51, v10  }
0xc3: {  	v3 =	vadd.f32 v3, v28;
	v58 =	vmul.f32 v52, v11;
	v59 =	vmul.f32 v53, v12  }
0xc4: {  	v29 =	vadd.f32 v29, v34;
	v13 =	vmul.f32 v42, v13;
	v10 =	vmul.f32 v43, v10  }
0xc5: {  	v12 =	vmul.f32 v25, v12;
	v60 =	vadd.f32 v56, v55;
	v61 =	vadd.f32 v59, v58  }
0xc6: {  	v62 =	vmul.f32 v30, v9;
	v20 =	vadd.f32 v20, v26;
	v11 =	vmul.f32 v27, v11  }
0xc7: {  	v10 =	vadd.f32 v10, v13;
	v9 =	vmul.f32 v57, v9;
	v32 =	vadd.f32 v61, v60  }
0xc8: {  	v46 =	vmul.f32 v37, v37;
	v20 =	vadd.f32 v20, v62;
	v11 =	vadd.f32 v12, v11  }
0xc9: {  	v13 =	vmul.f32 v23, v23;
	v23 =	vmul.f32 v53, v17;
	v3 =	vadd.f32 v3, v9  }
0xca: {  	v9 =	vadd.s32 s6, v14;
	v12 =	vadd.f32 v20, v32;
	v10 =	vadd.f32 v11, v10  }
0xcb: {  	v14 =	vadd.f32 v21, v22;
	v22 =	vmul.f32 v51, v18;
	v18 =	vmul.f32 v43, v18  }
0xcc: {  	v11 =	vmul.f32 v42, v19;
	v19 =	vmul.f32 v49, v19;
	[tilespmem:s18+$0xFFFFFFE0] =	vst v12;
	v3 =	vadd.f32 v3, v10  }
0xcd: {  	v13 =	vadd.f32 v13, v29;
	v2 =	vadd.f32 v46, v14;
	v12 =	vmul.f32 v12, v12;
	v21 =	vld.idx.msk [tilespmem:v63+s14+$0x0], $0xffff  }
0xce: {  	v10 =	vmul.f32 v52, v16;
	v19 =	vadd.f32 v22, v19;
	v22 =	vmul.f32 v36, v36;
	[tilespmem:s18+$0x20] =	vst v3  }
0xcf: {  	v11 =	vadd.f32 v18, v11;
	v0 =	vadd.f32 v12, v0;
	v3 =	vmul.f32 v3, v3;
	v9 =	vld.idx.msk [tilespmem:v9+s14+$0x0], $0xffff  }
0xd0: {  	v12 =	vmul.f32 v27, v16;
	v16 =	vmul.f32 v25, v17;
	v10 =	vadd.f32 v23, v10  }
0xd1: {  	v1 =	vmul.f32 v1, v1;
	v2 =	vadd.f32 v22, v2;
	v0 =	vadd.f32 v3, v0  }
0xd2: {  	v47 =	vmul.f32 v30, v15;
	v12 =	vadd.f32 v16, v12;
	v14 =	vadd.f32 v21, v26  }
0xd3: {  	v54 =	vmul.f32 v4, v4;
	v10 =	vadd.f32 v10, v19;
	v0 =	vadd.f32 v0, v2  }
0xd4: {  	v48 =	vadd.f32 v14, v47;
	v49 =	vadd.f32 v9, v28;
	v9 =	vmul.f32 v57, v15  }
0xd5: {  	v20 =	vadd.f32 v54, v31;
	v11 =	vadd.f32 v12, v11;
	v0 =	vmul.f32 $3.906250000e-03, v0  }
0xd6: {  	v17 =	vmul.f32 v5, v5;
	v2 =	vadd.f32 v48, v10;
	v3 =	vadd.f32 v49, v9  }
0xd7: {  	v1 =	vadd.f32 v1, v13;
	v0 =	vadd.f32 $9.999999740e-06, v0  }
0xd8: {  	v9 =	vadd.f32 v17, v20;
	v12 =	vmul.f32 v2, v2;
	v3 =	vadd.f32 v3, v11  }
0xd9: {  	v10 =	vmul.f32 v24, v24;
	v11 =	vshra.s32 v0, $0x1;
	v0 =	vmul.f32 $5.000000000e-01, v0  }
0xda: {  	v9 =	vadd.f32 v12, v9;
	v11 =	vsub.s32 $0x5F3759DF, v11;
	v12 =	vmul.f32 v3, v3  }
0xdb: {  	v13 =	vmul.f32 v11, v0  }
0xdc: {  	v1 =	vadd.f32 v10, v1;
	v9 =	vadd.f32 v12, v9  }
0xdd: {  	v10 =	vmul.f32 v11, v13  }
0xde: {  	v1 =	vadd.f32 v9, v1  }
0xdf: {  	v9 =	vsub.f32 $1.500000000e+00, v10  }
0xe0: {  	v1 =	vmul.f32 $3.906250000e-03, v1  }
0xe1: {  	v9 =	vmul.f32 v11, v9  }
0xe2: {  	v1 =	vadd.f32 $9.999999740e-06, v1  }
0xe3: {  	v10 =	vmul.f32 v9, v0  }
0xe4: {  	v11 =	vshra.s32 v1, $0x1;
	v1 =	vmul.f32 $5.000000000e-01, v1  }
0xe5: {  	v10 =	vmul.f32 v10, v9;
	v11 =	vsub.s32 $0x5F3759DF, v11  }
0xe6: {  	v12 =	vmul.f32 v11, v1  }
0xe7: {  	s12 =	sadd.s32 $0xFFFFFFC0, s5;
	[tilespmem:s15+$0xD080] =	vst v5;
	v5 =	vsub.f32 $1.500000000e+00, v10  }
0xe8: {  	[tilespmem:s16+$0xD080] =	vst v4;
	s6 =	sor.u32 $0x30, s12;
	v4 =	vmul.f32 v11, v12  }
0xe9: {  	p0 =	seq.s32 s1, $0x0;
	s5 =	sor.u32 $0x70, s5;
	[tilespmem:s6+$0xD080] =	vst v2;
	v50 =	vmul.f32 v5, v9  }
0xea: {  	[tilespmem:s5+$0xD080] =	vst v3;
	s5 =	simm.s32 @!p0 $0x1;
	v51 =	vsub.f32 $1.500000000e+00, v4  }
0xeb: {  	_ =	swait.ge @!p0 [sflag:s5], $0x2000;
	v0 =	vmul.f32 v50, v0  }
0xec: {  	[sflag:s5] =	ssyncset.done @!p0 $0x0;
	v2 =	vmul.f32 v11, v51  }
0xed: {  	s13 =	simm.s32 $0xD0A0;
	[sflag:s5] =	ssyncadd.s32 @!p0 $0xFFFFE000;
	v0 =	vmul.f32 v0, v50  }
0xee: {  	v5 =	vld [tilespmem:s13+$0x0];
	v4 =	vmul.f32 v2, v1  }
0xef: {  	s16 =	simm.s32 $0x1;
	s15 =	simm.s32 $0xB090;
	v34 =	vld [tilespmem:$0x1FFD0];
	v0 =	vsub.f32 $1.500000000e+00, v0  }
0xf0: {  	v16 =	vld [tilespmem:s15+$0x0];
	v10 =	vmov s16;
	v4 =	vmul.f32 v4, v2  }
0xf1: {  	s17 =	simm.s32 $0xC090;
	v52 =	vshll.u32 v10, $0x3;
	v11 =	vld [tilespmem:s13+$0xFFFFFFE0];
	v9 =	vmul.f32 v0, v50  }
0xf2: {  	v10 =	vand.u32 $0x7F, v10;
	v0 =	vand.u32 $0x400, v52;
	v53 =	vsub.f32 $1.500000000e+00, v4;
	v4 =	vld [tilespmem:s17+$0x0]  }
0xf3: {  	s18 =	simm.s32 $0x0;
	v0 =	vor.u32 v10, v0;
	v5 =	vmul.f32 v5, v9  }
0xf4: {  	s21 =	simm.s32 $0xD0E0;
	v19 =	vld [tilespmem:s15+$0xFFFFFFF0];
	v10 =	vmov s18;
	v54 =	vadd.s32 v34, v0  }
0xf5: {  	v13 =	vld [tilespmem:s21+$0x0];
	v12 =	vshll.u32 v10, $0x3;
	v2 =	vmul.f32 v53, v2;
	v5 =	vmul.f32 v5, v16  }
0xf6: {  	v27 =	vld [tilespmem:s17+$0xFFFFFFF0];
	v10 =	vand.u32 $0x7E, v10;
	v14 =	vmul.f32 v11, v9;
	v12 =	vand.u32 $0x400, v12  }
0xf7: {  	s22 =	simm.s32 $0x3;
	s23 =	simm.s32 $0xB0B0;
	v15 =	vld [tilespmem:s21+$0xFFFFFFE0];
	v22 =	vor.u32 v10, v12;
	v1 =	vmul.f32 v2, v1;
	v5 =	vadd.f32 v5, v4  }
0xf8: {  	s24 =	simm.s32 $0xC0B0;
	v11 =	vld [tilespmem:s23+$0x0];
	v10 =	vmov s22;
	v17 =	vadd.s32 v34, v22  }
0xf9: {  	v55 =	vmul.f32 v14, v19;
	v14 =	vld [tilespmem:s24+$0x0];
	v1 =	vmul.f32 v1, v2;
	[tilespmem:v54+s20+$0x0] =	vst.idx.msk $0xffff, v5;
	v5 =	vshll.u32 v10, $0x3  }
0xfa: {  	v20 =	vmul.f32 v13, v9;
	v10 =	vand.u32 $0x7F, v10;
	v18 =	vld [tilespmem:s13+$0x10];
	v5 =	vand.u32 $0x400, v5  }
0xfb: {  	s29 =	simm.s32 $0x2;
	s31 =	simm.s32 $0x5;
	s5 =	simm.s32 $0xD120;
	v12 =	vld [tilespmem:s23+$0xFFFFFFF0];
	v3 =	vadd.f32 v55, v27;
	v1 =	vsub.f32 $1.500000000e+00, v1;
	v5 =	vor.u32 v10, v5  }
0xfc: {  	s30 =	simm.s32 $0x4;
	v56 =	vmov s29;
	v25 =	vmov s31;
	v59 =	vld [tilespmem:s5+$0x0];
	v57 =	vadd.s32 v34, v5  }
0xfd: {  	v23 =	vmov s30;
	v13 =	vld [tilespmem:s24+$0xFFFFFFF0];
	v58 =	vmul.f32 v20, v11;
	[tilespmem:v17+s20+$0x0] =	vst.idx.msk $0xffff, v3;
	v10 =	vmul.f32 v1, v2  }
0xfe: {  	v21 =	vand.u32 $0x7E, v56;
	v17 =	vmul.f32 v15, v9;
	v35 =	vld [tilespmem:$0x1FFE0];
	v1 =	vshll.u32 v56, $0x3  }
0xff: {  	v3 =	vadd.f32 v58, v14;
	v20 =	vld [tilespmem:s13+$0xFFFFFFF0];
	v1 =	vand.u32 $0x400, v1;
	v18 =	vmul.f32 v18, v10  }
0x100: {  	s8 =	simm.s32 $0xB0D0;
	v60 =	vshll.u32 v25, $0x3;
	v17 =	vmul.f32 v17, v12;
	v15 =	vor.u32 v21, v1;
	v21 =	vld [tilespmem:s5+$0xFFFFFFE0]  }
0x101: {  	v28 =	vand.u32 $0x7E, v23;
	v24 =	vadd.s32 v34, v15;
	v18 =	vmul.f32 v18, v16;
	v16 =	vld [tilespmem:s8+$0x0];
	[tilespmem:v57+s20+$0x0] =	vst.idx.msk $0xffff, v3  }
0x102: {  	s9 =	simm.s32 $0xC0D0;
	v23 =	vshll.u32 v23, $0x3;
	v2 =	vand.u32 $0x400, v60;
	v61 =	vadd.f32 v17, v13;
	v29 =	vld [tilespmem:s21+$0x10]  }
0x103: {  	v17 =	vld [tilespmem:s9+$0x0];
	v0 =	vadd.s32 v35, v0;
	v4 =	vadd.f32 v18, v4;
	v18 =	vand.u32 $0x7F, v25  }
0x104: {  	v1 =	vmul.f32 v59, v9;
	v26 =	vmul.f32 v20, v10;
	v20 =	vld [tilespmem:s8+$0xFFFFFFF0];
	v18 =	vor.u32 v18, v2  }
0x105: {  	v22 =	vadd.s32 v35, v22;
	v30 =	vmul.f32 v21, v9;
	v21 =	vld [tilespmem:s9+$0xFFFFFFF0];
	v25 =	vadd.s32 v34, v18  }
0x106: {  	v62 =	vand.u32 $0x400, v23;
	v63 =	vmul.f32 v26, v19;
	[tilespmem:v24+s20+$0x0] =	vst.idx.msk $0xffff, v61;
	v1 =	vmul.f32 v1, v16  }
0x107: {  	s7 =	simm.s32 $0xD160;
	s10 =	simm.s32 $0x6;
	v19 =	vor.u32 v28, v62;
	v24 =	vadd.s32 v35, v5;
	v23 =	vld [tilespmem:s21+$0xFFFFFFF0];
	v29 =	vmul.f32 v29, v10  }
0x108: {  	s12 =	simm.s32 $0x8;
	s6 =	sshll.u32 s1, $0x1;
	v26 =	vmov s10;
	v28 =	vld [tilespmem:s7+$0x0];
	v27 =	vadd.f32 v63, v27;
	[tilespmem:v0+s20+$0x0] =	vst.idx.msk $0xffff, v4;
	v31 =	vadd.f32 v1, v17  }
.LBB2_5:
0x109: {  	p1 =	slt.u32 s12, $0xFE;
	v0 =	vld [tilespmem:s7+$0xFFFFFFE0];
	s10 =	sadd.s32 $0x1, s10;
	v1 =	vmul.f32 v30, v20;
	v2 =	vadd.s32 v34, v19;
	s8 =	sadd.s32 $0x20, s8;
	v3 =	vmul.f32 v29, v11;
	v11 =	vmovc v16  }
0x10a: {  	v4 =	vand.u32 $0x7E, v26;
	v29 =	vmovc v20;
	v32 =	vmovc v13;
	v16 =	vld [tilespmem:s8+$0x0];
	v5 =	vmov s10;
	[tilespmem:v25+s20+$0x0] =	vst.idx.msk $0xffff, v31;
	v13 =	vmov v21;
	s10 =	smov.u32 s12  }
0x10b: {  	s9 =	sadd.s32 $0x20, s9;
	v20 =	vshll.u32 v5, $0x3;
	v1 =	vadd.f32 v1, v13;
	v31 =	vld [tilespmem:s5+$0x10];
	v3 =	vadd.f32 v3, v14;
	[tilespmem:v22+s20+$0x0] =	vst.idx.msk $0xffff, v27  }
0x10c: {  	v5 =	vand.u32 $0x7F, v5;
	v22 =	vmul.f32 v23, v10;
	v14 =	vmovc v17;
	v21 =	vand.u32 $0x400, v20;
	v17 =	vld [tilespmem:s9+$0x0]  }
.Ltmp1:
0x10d: {  	v23 =	vshll.u32 v26, $0x3;
	v20 =	vld [tilespmem:s8+$0xFFFFFFF0];
	v26 =	vmul.f32 v28, v9;
	v5 =	vor.u32 v5, v21;
	[tilespmem:v24+s20+$0x0] =	vst.idx.msk $0xffff, v3;
	(pc) =	sbr.rel @p1 .LBB2_5-.Ltmp1, $4  }
0x10e: {  	v21 =	vld [tilespmem:s9+$0xFFFFFFF0];
	v30 =	vmul.f32 v0, v9;
	v0 =	vand.u32 $0x400, v23;
	v25 =	vadd.s32 v34, v5;
	[tilespmem:v2+s20+$0x0] =	vst.idx.msk $0xffff, v1  }
0x10f: {  	v2 =	vmul.f32 v22, v12;
	v22 =	vadd.s32 v35, v15;
	v12 =	vmovc v29;
	v1 =	vmul.f32 v26, v16;
	v23 =	vld [tilespmem:s5+$0xFFFFFFF0];
	s5 =	smov.u32 s7  }
0x110: {  	v15 =	vmovc v19;
	v26 =	vmov s12;
	s7 =	sadd.s32 $0x40, s7;
	v19 =	vor.u32 v4, v0;
	v29 =	vmul.f32 v31, v10  }
0x111: {  	v24 =	vadd.s32 v35, v18;
	v18 =	vmovc v5;
	s12 =	sadd.s32 $0x2, s12;
	v27 =	vadd.f32 v2, v32;
	v28 =	vld [tilespmem:s7+$0x0];
	v31 =	vadd.f32 v1, v17  }
0x112: {  	v0 =	vld [tilespmem:s7+$0xFFFFFFE0];
	s10 =	sadd.s32 $0x1, s10;
	s8 =	sadd.s32 $0x20, s8  }
0x113: {  	v1 =	vmul.f32 v30, v20;
	v2 =	vld [tilespmem:s8+$0x0];
	v3 =	vmov s10  }
0x114: {  	v4 =	vadd.s32 v34, v19;
	v5 =	vand.u32 $0x7E, v26;
	s9 =	sadd.s32 $0x20, s9;
	v32 =	vld [tilespmem:s8+$0xFFFFFFF0];
	v30 =	vshll.u32 v3, $0x3  }
0x115: {  	v26 =	vshll.u32 v26, $0x3;
	v33 =	vld [tilespmem:s9+$0x0];
	v3 =	vand.u32 $0x7F, v3;
	v30 =	vand.u32 $0x400, v30  }
0x116: {  	v26 =	vand.u32 $0x400, v26;
	v28 =	vmul.f32 v28, v9;
	v3 =	vor.u32 v3, v30;
	v30 =	vld [tilespmem:s9+$0xFFFFFFF0]  }
0x117: {  	v5 =	vor.u32 v5, v26;
	v0 =	vmul.f32 v0, v9;
	v9 =	vadd.s32 v34, v3  }
0x118: {  	v26 =	vmul.f32 v28, v2;
	v28 =	vadd.s32 v34, v5  }
0x119: {  	v1 =	vadd.f32 v1, v21;
	v0 =	vmul.f32 v0, v32  }
0x11a: {  	[tilespmem:v25+s20+$0x0] =	vst.idx.msk $0xffff, v31;
	v25 =	vadd.f32 v26, v33  }
0x11b: {  	[tilespmem:v4+s20+$0x0] =	vst.idx.msk $0xffff, v1;
	v26 =	vld [tilespmem:s5+$0x10];
	v0 =	vadd.f32 v0, v30  }
0x11c: {  	v1 =	vmul.f32 v29, v11;
	v4 =	vld [tilespmem:s5+$0xFFFFFFF0];
	[tilespmem:v9+s20+$0x0] =	vst.idx.msk $0xffff, v25  }
0x11d: {  	v9 =	vmul.f32 v23, v10;
	v11 =	vld [tilespmem:s7+$0x10];
	[tilespmem:v28+s20+$0x0] =	vst.idx.msk $0xffff, v0  }
0x11e: {  	v0 =	vadd.f32 v1, v14;
	v1 =	vld [tilespmem:s7+$0xFFFFFFF0]  }
0x11f: {  	[tilespmem:v22+s20+$0x0] =	vst.idx.msk $0xffff, v27;
	v9 =	vmul.f32 v9, v12  }
0x120: {  	[tilespmem:v24+s20+$0x0] =	vst.idx.msk $0xffff, v0;
	v0 =	vadd.s32 v35, v15;
	v12 =	vmul.f32 v26, v10  }
0x121: {  	v14 =	vadd.s32 v35, v18;
	v4 =	vmul.f32 v4, v10;
	v9 =	vadd.f32 v9, v13  }
0x122: {  	v13 =	vadd.s32 v35, v19;
	v12 =	vmul.f32 v12, v16;
	v11 =	vmul.f32 v11, v10  }
0x123: {  	v3 =	vadd.s32 v35, v3;
	v4 =	vmul.f32 v4, v20;
	v1 =	vmul.f32 v1, v10  }
0x124: {  	v5 =	vadd.s32 v35, v5;
	v10 =	vadd.f32 v12, v17;
	v2 =	vmul.f32 v11, v2  }
0x125: {  	[tilespmem:v0+s20+$0x0] =	vst.idx.msk $0xffff, v9;
	v0 =	vadd.f32 v4, v21;
	v1 =	vmul.f32 v1, v32  }
0x126: {  	[tilespmem:v14+s20+$0x0] =	vst.idx.msk $0xffff, v10;
	v2 =	vadd.f32 v2, v33  }
0x127: {  	s0 =	sadd.s32 s4, s0;
	[tilespmem:v13+s20+$0x0] =	vst.idx.msk $0xffff, v0;
	v0 =	vadd.f32 v1, v30  }
0x128: {  	s0 =	sshll.u32 s0, $0x5;
	[tilespmem:v3+s20+$0x0] =	vst.idx.msk $0xffff, v2  }
0x129: {  	s17 =	sor.u32 $0x1, s6;
	s10 =	simm.s32 $0x0;
	s0 =	sadd.s32 s2, s0;
	[tilespmem:v5+s20+$0x0] =	vst.idx.msk $0xffff, v0  }
0x12a: {  	[hbm4b:s0+s10] =	stream.linear.scatter [tilespmem:s20], [sflag:$0x1], $0x800, $0x38;
	[tilespmem:$0x15080] =	vst v63  }
0x12b: {  	s16 =	simm.s32 $0xFC80;
	s6 =	sshll.u32 s17, $0x8;
	s15 =	sadd.s32 $0x100, s0  }
0x12c: {  	[hbm4b:s15+s10] =	stream.linear.scatter [tilespmem:s16], [sflag:$0x1], $0x800, $0x38;
	[tilespmem:$0x15080] =	vst v63  }
0x12d: {  	s21 =	simm.s32 $0x10880;
	s6 =	sand.u32 $0x1F00, s6;
	s18 =	sadd.s32 $0x200, s0  }
0x12e: {  	v0 =	vor.u32 s6, v6;
	v16 =	vld [tilespmem:$0x1FF90];
	[hbm4b:s18+s10] =	stream.linear.scatter [tilespmem:s21], [sflag:$0x1], $0x800, $0x38  }
0x12f: {  	s22 =	simm.s32 $0x11480;
	s0 =	sadd.s32 $0x300, s0;
	v18 =	vld [tilespmem:$0x1FFA0]  }
0x130: {  	v24 =	vld [tilespmem:$0x1FFB0];
	[hbm4b:s0+s10] =	stream.linear.scatter [tilespmem:s22], [sflag:$0x1], $0x800, $0x38  }
0x131: {  	v50 =	vld [tilespmem:$0x1FFC0];
	s0 =	sshll.u32 s17, $0x5  }
0x132: {  	v4 =	vld [tilespmem:s0+$0x0]  }
0x133: {  	v13 =	vld.idx.msk [tilespmem:v0+s19+$0x0], $0xffff  }
0x134: {  	s23 =	sand.u32 $0xFC0, s10;
	v0 =	vld [tilespmem:s0+$0x10]  }
0x135: {  	v23 =	vld [tilespmem:s23+$0x6080]  }
0x136: {  	s13 =	simm.s32 $0x20;
	v25 =	vld [tilespmem:s23+$0x7080]  }
0x137: {  	s15 =	sand.u32 $0xFE0, s13;
	v29 =	vld [tilespmem:s23+$0x8080]  }
0x138: {  	v1 =	vor.u32 s6, v16;
	v27 =	vld [tilespmem:s15+$0x6080]  }
0x139: {  	v2 =	vor.u32 s6, v18;
	v30 =	vld [tilespmem:s15+$0x7080]  }
0x13a: {  	s7 =	simm.s32 $0x40;
	v3 =	vor.u32 s6, v24;
	v31 =	vld [tilespmem:s15+$0x8080]  }
0x13b: {  	s16 =	sand.u32 $0xFC0, s7;
	v51 =	vld [tilespmem:s15+$0x9080]  }
0x13c: {  	v5 =	vor.u32 s6, v50;
	v44 =	vld [tilespmem:s16+$0x6080]  }
0x13d: {  	v10 =	vld.idx.msk [tilespmem:v1+s19+$0x0], $0xffff;
	v20 =	vmul.u32 $0x101, v4  }
0x13e: {  	s24 =	simm.s32 $0x2;
	v11 =	vld.idx.msk [tilespmem:v2+s19+$0x0], $0xffff  }
0x13f: {  	s12 =	simm.s32 $0x50A0;
	v12 =	vld.idx.msk [tilespmem:v3+s19+$0x0], $0xffff;
	v15 =	vadd.s32 s24, v20  }
0x140: {  	v3 =	vld [tilespmem:s12+$0x0]  }
0x141: {  	s9 =	simm.s32 $0xA0A0;
	v9 =	vld.idx.msk [tilespmem:v5+s19+$0x0], $0xffff  }
0x142: {  	v1 =	vld [tilespmem:s9+$0x0]  }
0x143: {  	s6 =	sor.u32 $0x80, s6;
	v5 =	vld [tilespmem:s12+$0xFFFFFFE0]  }
0x144: {  	v16 =	vor.u32 s6, v16;
	v14 =	vmul.u32 $0x101, v0;
	v0 =	vld.idx.msk [tilespmem:v15+s14+$0x0], $0xffff  }
0x145: {  	v24 =	vor.u32 s6, v24;
	v2 =	vld [tilespmem:s9+$0xFFFFFFE0];
	v17 =	vmul.f32 v3, v13;
	v28 =	vmul.f32 v27, v10  }
0x146: {  	s18 =	simm.s32 $0x60;
	v21 =	vor.u32 s6, v18;
	v52 =	vmul.f32 v30, v11;
	v53 =	vmul.f32 v31, v12;
	v18 =	vld.idx.msk [tilespmem:v20+s14+$0x0], $0xffff  }
0x147: {  	v33 =	vor.u32 s6, v50;
	v45 =	vld [tilespmem:s16+$0x7080];
	s15 =	sand.u32 $0xFE0, s18;
	v55 =	vadd.s32 s24, v14  }
0x148: {  	v35 =	vld [tilespmem:s15+$0x9080];
	v17 =	vadd.f32 v28, v17;
	v28 =	vadd.f32 v53, v52;
	v15 =	vor.u32 s6, v6  }
0x149: {  	v4 =	vld [tilespmem:s23+$0x9080];
	v19 =	vmul.f32 v5, v13;
	v37 =	vmul.f32 v51, v9;
	v0 =	vadd.f32 v0, v1  }
0x14a: {  	v22 =	vmul.f32 v23, v10;
	v26 =	vmul.f32 v25, v11;
	v28 =	vadd.f32 v28, v17;
	v17 =	vld.idx.msk [tilespmem:v24+s19+$0x0], $0xffff  }
0x14b: {  	v36 =	vmul.f32 v29, v12;
	v54 =	vadd.f32 v18, v2;
	v18 =	vld.idx.msk [tilespmem:v16+s19+$0x0], $0xffff;
	v0 =	vadd.f32 v0, v37  }
0x14c: {  	v22 =	vadd.f32 v22, v19;
	v16 =	vld.idx.msk [tilespmem:v21+s19+$0x0], $0xffff  }
0x14d: {  	v19 =	vld.idx.msk [tilespmem:v15+s19+$0x0], $0xffff;
	v15 =	vadd.f32 v36, v26;
	v21 =	vadd.f32 v0, v28  }
0x14e: {  	s13 =	simm.s32 $0x6;
	s17 =	simm.s32 $0xD0C0;
	v48 =	vld [tilespmem:s15+$0x6080];
	v26 =	vmul.f32 v4, v9  }
0x14f: {  	v58 =	vadd.s32 s13, v20;
	v22 =	vadd.f32 v15, v22;
	v15 =	vld.idx.msk [tilespmem:v33+s19+$0x0], $0xffff;
	[tilespmem:s17+$0x0] =	vst v21  }
0x150: {  	v26 =	vadd.f32 v54, v26;
	v0 =	vld.idx.msk [tilespmem:v55+s14+$0x0], $0xffff  }
0x151: {  	v42 =	vld [tilespmem:s15+$0x7080]  }
0x152: {  	s5 =	simm.s32 $0xA0E0;
	v43 =	vld [tilespmem:s15+$0x8080];
	v31 =	vmul.f32 v31, v17;
	v22 =	vadd.f32 v26, v22;
	v30 =	vmul.f32 v30, v16  }
0x153: {  	v24 =	vld [tilespmem:s5+$0xFFFFFFE0];
	v60 =	vmul.f32 v27, v18;
	v3 =	vmul.f32 v3, v19  }
0x154: {  	v62 =	vld.idx.msk [tilespmem:v58+s14+$0x0], $0xffff;
	v28 =	vadd.s32 $0x4, v20;
	[tilespmem:s17+$0xFFFFFFC0] =	vst v22;
	v30 =	vadd.f32 v31, v30  }
0x155: {  	s6 =	simm.s32 $0x50E0;
	v56 =	vld.idx.msk [tilespmem:v14+s14+$0x0], $0xffff;
	v3 =	vadd.f32 v60, v3;
	v31 =	vmul.f32 v51, v15;
	v0 =	vadd.f32 v0, v1  }
0x156: {  	v57 =	vld [tilespmem:s6+$0x0];
	v61 =	vadd.s32 s10, v28  }
0x157: {  	s8 =	simm.s32 $0x3;
	v59 =	vld [tilespmem:s6+$0xFFFFFFE0];
	v3 =	vadd.f32 v30, v3;
	v0 =	vadd.f32 v0, v31  }
0x158: {  	v29 =	vmul.f32 v29, v17;
	v27 =	vld [tilespmem:s16+$0x9080];
	v25 =	vmul.f32 v25, v16;
	v31 =	vadd.s32 s8, v20  }
0x159: {  	v5 =	vmul.f32 v5, v19;
	v30 =	vmul.f32 v23, v18;
	v1 =	vld [tilespmem:s16+$0x8080];
	s16 =	simm.s32 $0x40;
	v23 =	vadd.f32 v0, v3  }
0x15a: {  	v26 =	vld [tilespmem:s5+$0x0];
	v4 =	vmul.f32 v4, v15;
	v2 =	vadd.f32 v56, v2;
	s16 =	sor.u32 $0x50, s16  }
0x15b: {  	v0 =	vadd.f32 v30, v5;
	v3 =	vld.idx.msk [tilespmem:v61+s14+$0x0], $0xffff;
	v5 =	vadd.f32 v29, v25;
	[tilespmem:s16+$0xD080] =	vst v23  }
0x15c: {  	s21 =	simm.s32 $0x1;
	v29 =	vld [tilespmem:s9+$0x10]  }
0x15d: {  	s22 =	simm.s32 $0x30;
	v2 =	vadd.f32 v2, v4;
	v4 =	vadd.s32 s21, v20;
	v0 =	vadd.f32 v5, v0;
	v5 =	vld.idx.msk [tilespmem:v31+s14+$0x0], $0xffff  }
0x15e: {  	v63 =	vmul.f32 v45, v11;
	v53 =	vmul.f32 v48, v10;
	s16 =	sand.u32 $0xFF0, s22;
	v41 =	vld [tilespmem:s12+$0x10]  }
0x15f: {  	v52 =	vmul.f32 v45, v16;
	v46 =	vmul.f32 v57, v19;
	v38 =	vld [tilespmem:s16+$0x6080];
	v30 =	vadd.f32 v2, v0  }
0x160: {  	v58 =	vadd.s32 s13, v14;
	v55 =	vmul.f32 v59, v19;
	v60 =	vmul.f32 v42, v11;
	v39 =	vld [tilespmem:s16+$0x7080]  }
0x161: {  	v32 =	vadd.f32 v62, v26;
	v62 =	vmul.f32 v27, v9;
	v54 =	vmul.f32 v1, v17;
	v40 =	vld [tilespmem:s16+$0x8080];
	[tilespmem:s17+$0xFFFFFFD0] =	vst v30  }
0x162: {  	s23 =	simm.s32 $0x10;
	v33 =	vadd.s32 $0x4, v14;
	v1 =	vmul.f32 v1, v12;
	v31 =	vmul.f32 v57, v13;
	v4 =	vld.idx.msk [tilespmem:v4+s14+$0x0], $0xffff  }
0x163: {  	v57 =	vadd.s32 s10, v33;
	s10 =	sand.u32 $0xFD0, s23;
	v0 =	vmul.f32 v59, v13;
	v2 =	vmul.f32 v44, v10;
	v47 =	vld [tilespmem:s12+$0xFFFFFFF0]  }
0x164: {  	v51 =	vadd.s32 s21, v14;
	v56 =	vmul.f32 v44, v18;
	v61 =	vmul.f32 v43, v12;
	v50 =	vld [tilespmem:s10+$0x6080]  }
0x165: {  	v1 =	vadd.f32 v1, v63;
	v0 =	vadd.f32 v2, v0;
	v2 =	vmul.f32 v35, v9;
	v49 =	vld [tilespmem:s10+$0x7080]  }
0x166: {  	v25 =	vimm.f32 $0.0e+00;
	v63 =	vadd.f32 v61, v60;
	v31 =	vadd.f32 v53, v31;
	v53 =	vld [tilespmem:s10+$0x8080]  }
0x167: {  	v59 =	vmul.f32 v48, v18;
	v3 =	vadd.f32 v3, v24;
	v45 =	vld [tilespmem:s9+$0xFFFFFFF0];
	v2 =	vadd.f32 v32, v2  }
0x168: {  	v48 =	vld [tilespmem:s10+$0x9080];
	v0 =	vadd.f32 v1, v0;
	v1 =	vadd.f32 v63, v31;
	v31 =	vmul.f32 v41, v13  }
0x169: {  	v44 =	vld [tilespmem:s16+$0x9080];
	v3 =	vadd.f32 v3, v62;
	v32 =	vmul.f32 v38, v10;
	v34 =	vmul.f32 v39, v11  }
0x16a: {  	v36 =	vadd.f32 v2, v1;
	v1 =	vmul.f32 v47, v13;
	v2 =	vmul.f32 v50, v10  }
0x16b: {  	v37 =	vadd.f32 v3, v0;
	v3 =	vmul.f32 v49, v11;
	v61 =	vmul.f32 v53, v12  }
0x16c: {  	s30 =	simm.s32 $0x60;
	v60 =	vadd.f32 v5, v29;
	v63 =	vadd.f32 v4, v45;
	v4 =	vmul.f32 v40, v12  }
0x16d: {  	s29 =	simm.s32 $0x4;
	s31 =	simm.s32 $0x8;
	s24 =	simm.s32 $0x20;
	v0 =	vadd.f32 v2, v1;
	v1 =	vadd.f32 v61, v3;
	v3 =	vmul.f32 v48, v9  }
0x16e: {  	s18 =	simm.s32 $0xD140;
	s15 =	sor.u32 $0x70, s30;
	s16 =	sor.u32 $0x30, s24;
	v61 =	vadd.f32 v32, v31;
	v62 =	vadd.f32 v4, v34;
	v2 =	vmul.f32 v44, v9  }
0x16f: {  	s9 =	simm.s32 $0xA0E0;
	s12 =	simm.s32 $0x40;
	s10 =	simm.s32 $0x50E0;
	v34 =	vimm.f32 $0.0e+00;
	v32 =	vimm.f32 $0.0e+00;
	v31 =	vimm.f32 $0.0e+00  }
.LBB2_7:
0x170: {  	p1 =	slt.u32 s31, $0xFC;
	[tilespmem:s18+$0x0] =	vst v36;
	v4 =	vmul.f32 v42, v16;
	v3 =	vadd.f32 v63, v3;
	v0 =	vadd.f32 v1, v0  }
0x171: {  	v1 =	vadd.f32 v56, v55;
	v42 =	vadd.s32 s8, v14;
	[tilespmem:s18+$0xFFFFFFC0] =	vst v37;
	v5 =	vld.idx.msk [tilespmem:v58+s14+$0x0], $0xffff;
	v2 =	vadd.f32 v60, v2  }
0x172: {  	v43 =	vmul.f32 v43, v17;
	s5 =	sadd.s32 $0x40, s5;
	v55 =	vld.idx.msk [tilespmem:v57+s14+$0x0], $0xffff;
	v0 =	vadd.f32 v3, v0;
	v3 =	vadd.f32 v62, v61  }
0x173: {  	v52 =	vadd.f32 v54, v52;
	v46 =	vadd.f32 v59, v46;
	v56 =	vld [tilespmem:s5+$0x0]  }
0x174: {  	s13 =	sadd.s32 $0x2, s31;
	s8 =	sadd.s32 $0x3, s29;
	v57 =	vadd.s32 s29, v28;
	v4 =	vadd.f32 v43, v4;
	v54 =	vld [tilespmem:s5+$0xFFFFFFE0];
	[tilespmem:s17+$0xFFFFFFE0] =	vst v0;
	v2 =	vadd.f32 v2, v3  }
0x175: {  	v35 =	vmul.f32 v35, v15;
	s6 =	sadd.s32 $0x40, s6;
	v58 =	vadd.s32 s8, v20;
	v3 =	vadd.s32 s13, v20;
	v43 =	vld.idx.msk [tilespmem:v51+s14+$0x0], $0xffff  }
0x176: {  	v41 =	vmul.f32 v41, v19;
	v1 =	vadd.f32 v52, v1;
	v4 =	vadd.f32 v4, v46;
	v51 =	vld [tilespmem:s6+$0x0];
	[tilespmem:s17+$0x20] =	vst v2;
	s17 =	smov.u32 s18  }
0x177: {  	s7 =	sadd.s32 $0x40, s7;
	v46 =	vmul.f32 v47, v19;
	v47 =	vmul.f32 v50, v18;
	v5 =	vadd.f32 v5, v26;
	v42 =	vld.idx.msk [tilespmem:v42+s14+$0x0], $0xffff  }
0x178: {  	v49 =	vmul.f32 v49, v16;
	v53 =	vmul.f32 v53, v17;
	s21 =	sand.u32 $0xFC0, s7;
	v52 =	vadd.f32 v55, v24;
	v50 =	vld [tilespmem:s6+$0xFFFFFFE0];
	v26 =	vmovc v56  }
0x179: {  	v5 =	vadd.f32 v5, v35;
	v35 =	vmul.f32 v38, v18;
	v38 =	vmul.f32 v39, v16;
	v55 =	vld [tilespmem:s21+$0x9080];
	v24 =	vmovc v54  }
0x17a: {  	v40 =	vmul.f32 v40, v17;
	v39 =	vadd.f32 v47, v46;
	v46 =	vadd.f32 v53, v49;
	v59 =	vld [tilespmem:s21+$0x6080]  }
0x17b: {  	v43 =	vadd.f32 v43, v45;
	v45 =	vmul.f32 v48, v15;
	v41 =	vadd.f32 v35, v41;
	v47 =	vld [tilespmem:s21+$0x7080]  }
0x17c: {  	v6 =	vmul.f32 v27, v15;
	v39 =	vadd.f32 v46, v39;
	v38 =	vadd.f32 v40, v38;
	v48 =	vld [tilespmem:s21+$0x8080];
	s21 =	sadd.s32 $0x20, s7  }
0x17d: {  	v40 =	vadd.f32 v43, v45;
	v29 =	vadd.f32 v42, v29;
	v42 =	vmul.f32 v44, v15;
	s21 =	sand.u32 $0xFE0, s21;
	v3 =	vld.idx.msk [tilespmem:v3+s14+$0x0], $0xffff  }
0x17e: {  	v44 =	vadd.f32 v52, v6;
	v45 =	vmul.f32 v21, v21;
	v38 =	vadd.f32 v38, v41;
	v35 =	vld [tilespmem:s21+$0x9080];
	v27 =	vmovc v55  }
0x17f: {  	s30 =	sadd.s32 $0x80, s30;
	v41 =	vmul.f32 v22, v22;
	v21 =	vmovc v36;
	v39 =	vadd.f32 v40, v39;
	v29 =	vadd.f32 v29, v42;
	v60 =	vld [tilespmem:s21+$0x6080]  }
0x180: {  	v30 =	vmul.f32 v30, v30;
	s22 =	sadd.s32 $0xFFFFFFC0, s30;
	s23 =	sadd.s32 $0xFFFFFFE0, s30;
	s24 =	sor.u32 $0x70, s30;
	v36 =	vmul.f32 v23, v23;
	v23 =	vadd.f32 v5, v4;
	v22 =	vmovc v37;
	v42 =	vld [tilespmem:s21+$0x7080]  }
0x181: {  	s22 =	sor.u32 $0x30, s22;
	s23 =	sor.u32 $0x50, s23;
	v0 =	vmul.f32 v0, v0;
	v5 =	vmul.f32 v39, v39;
	v37 =	vadd.f32 v29, v38;
	v4 =	vld.idx.msk [tilespmem:v57+s14+$0x0], $0xffff  }
0x182: {  	v30 =	vadd.f32 v30, v34;
	v2 =	vmul.f32 v2, v2;
	v25 =	vadd.f32 v41, v25;
	v43 =	vld [tilespmem:s21+$0x8080];
	[tilespmem:s23+$0xD080] =	vst v23  }
0x183: {  	v0 =	vadd.f32 v0, v32;
	s21 =	sadd.s32 $0x1, s29;
	v5 =	vadd.f32 v5, v31;
	v31 =	vmul.f32 v37, v37;
	v29 =	vld [tilespmem:s9+$0x10];
	[tilespmem:s15+$0xD080] =	vst v37;
	s15 =	smov.u32 s24  }
0x184: {  	v34 =	vadd.f32 v36, v30;
	v25 =	vadd.f32 v45, v25;
	s23 =	sadd.s32 $0x30, s12;
	v37 =	vadd.s32 s21, v20;
	v61 =	vld.idx.msk [tilespmem:v58+s14+$0x0], $0xffff;
	[tilespmem:s16+$0xD080] =	vst v39;
	s16 =	smov.u32 s22  }
0x185: {  	v32 =	vadd.f32 v2, v0;
	v46 =	vmul.f32 v51, v19;
	s22 =	sand.u32 $0xFF0, s23;
	v31 =	vadd.f32 v31, v5;
	v41 =	vld [tilespmem:s10+$0x10]  }
0x186: {  	v0 =	vmul.f32 v51, v13;
	v55 =	vmul.f32 v50, v19;
	v30 =	vadd.f32 v44, v1;
	v38 =	vld [tilespmem:s22+$0x6080]  }
0x187: {  	v1 =	vmul.f32 v50, v13;
	v56 =	vmul.f32 v59, v18;
	v39 =	vld [tilespmem:s22+$0x7080]  }
0x188: {  	v52 =	vmul.f32 v47, v16;
	v54 =	vmul.f32 v48, v17;
	v57 =	vadd.s32 s29, v33;
	s29 =	smov.u32 s31;
	[tilespmem:s18+$0xFFFFFFD0] =	vst v30;
	v40 =	vld [tilespmem:s22+$0x8080]  }
0x189: {  	v2 =	vmul.f32 v59, v10;
	v51 =	vadd.s32 s21, v14;
	v5 =	vmul.f32 v47, v11;
	s23 =	sadd.s32 $0x10, s12;
	s12 =	smov.u32 s7;
	v62 =	vld.idx.msk [tilespmem:v37+s14+$0x0], $0xffff  }
0x18a: {  	v36 =	vmul.f32 v48, v12;
	v58 =	vadd.s32 s13, v14;
	s13 =	sand.u32 $0xFD0, s23;
	v37 =	vmul.f32 v60, v10;
	v47 =	vld [tilespmem:s10+$0xFFFFFFF0];
	s10 =	smov.u32 s6  }
0x18b: {  	v3 =	vadd.f32 v3, v26;
	v44 =	vmul.f32 v42, v11;
	v45 =	vmul.f32 v43, v12;
	v50 =	vld [tilespmem:s13+$0x6080]  }
0x18c: {  	v1 =	vadd.f32 v2, v1;
	v2 =	vadd.f32 v36, v5;
	v5 =	vmul.f32 v35, v9;
	v49 =	vld [tilespmem:s13+$0x7080]  }
0x18d: {  	v36 =	vmul.f32 v27, v9;
	v0 =	vadd.f32 v37, v0;
	v37 =	vadd.f32 v45, v44;
	v53 =	vld [tilespmem:s13+$0x8080]  }
0x18e: {  	v59 =	vmul.f32 v60, v18;
	v4 =	vadd.f32 v4, v24;
	v3 =	vadd.f32 v3, v5;
	v45 =	vld [tilespmem:s9+$0xFFFFFFF0];
	s9 =	smov.u32 s5  }
0x18f: {  	v1 =	vadd.f32 v2, v1;
	v2 =	vmul.f32 v41, v13;
	v0 =	vadd.f32 v37, v0;
	v48 =	vld [tilespmem:s13+$0x9080]  }
0x190: {  	v4 =	vadd.f32 v4, v36;
	v5 =	vmul.f32 v38, v10;
	v6 =	vmul.f32 v39, v11;
	v44 =	vld [tilespmem:s22+$0x9080]  }
.Ltmp2:
0x191: {  	v36 =	vadd.f32 v3, v0;
	v0 =	vmul.f32 v47, v13;
	v3 =	vmul.f32 v50, v10;
	(pc) =	sbr.rel @p1 .LBB2_7-.Ltmp2, $4  }
0x192: {  	v37 =	vadd.f32 v4, v1;
	v1 =	vmul.f32 v49, v11;
	v4 =	vmul.f32 v53, v12  }
0x193: {  	v60 =	vadd.f32 v61, v29;
	v63 =	vadd.f32 v62, v45;
	v62 =	vmul.f32 v40, v12  }
0x194: {  	v0 =	vadd.f32 v3, v0;
	v1 =	vadd.f32 v4, v1;
	v3 =	vmul.f32 v48, v9  }
0x195: {  	s31 =	sadd.s32 $0x4, s31;
	s18 =	sadd.s32 $0x80, s18;
	v61 =	vadd.f32 v5, v2;
	v62 =	vadd.f32 v62, v6;
	v2 =	vmul.f32 v44, v9  }
0x196: {  	_ =	sdelay $0x2  }
0x197: {  	[tilespmem:s18+$0x0] =	vst v36  }
0x198: {  	v4 =	vld.idx.msk [tilespmem:v58+s14+$0x0], $0xffff;
	_ =	sdelay $0x1  }
0x199: {  	v5 =	vmul.f32 v42, v16  }
0x19a: {  	v3 =	vadd.f32 v63, v3;
	v0 =	vadd.f32 v1, v0;
	[tilespmem:s18+$0xFFFFFFC0] =	vst v37;
	v6 =	vmul.f32 v43, v17  }
0x19b: {  	v33 =	vadd.f32 v59, v46;
	v2 =	vadd.f32 v60, v2;
	v28 =	vld.idx.msk [tilespmem:v57+s14+$0x0], $0xffff  }
0x19c: {  	v5 =	vadd.f32 v6, v5;
	v6 =	vmul.f32 v35, v15;
	v4 =	vadd.f32 v4, v26  }
0x19d: {  	v42 =	vadd.f32 v62, v61;
	v0 =	vadd.f32 v3, v0;
	v26 =	vadd.s32 s8, v14  }
0x19e: {  	s6 =	sadd.s32 $0x3, s29;
	v5 =	vadd.f32 v5, v33;
	v4 =	vadd.f32 v4, v6  }
0x19f: {  	v63 =	vadd.f32 v56, v55;
	s5 =	sadd.s32 $0x80, s30;
	v43 =	vadd.s32 s6, v20;
	v2 =	vadd.f32 v2, v42  }
0x1a0: {  	s7 =	sadd.s32 $0xFFFFFFE0, s5;
	[tilespmem:s17+$0xFFFFFFE0] =	vst v0;
	v28 =	vadd.f32 v28, v24;
	v24 =	vadd.f32 v4, v5  }
0x1a1: {  	v27 =	vmul.f32 v27, v15;
	s23 =	sor.u32 $0x50, s7;
	[tilespmem:s17+$0x20] =	vst v2;
	v6 =	vadd.f32 v54, v52;
	v4 =	vld.idx.msk [tilespmem:v51+s14+$0x0], $0xffff  }
0x1a2: {  	s24 =	sadd.s32 $0x1, s29;
	v5 =	vld.idx.msk [tilespmem:v26+s14+$0x0], $0xffff;
	[tilespmem:s23+$0xD080] =	vst v24  }
0x1a3: {  	v20 =	vadd.s32 s24, v20;
	v1 =	vadd.f32 v6, v63;
	v6 =	vadd.f32 v28, v27;
	v27 =	vld [tilespmem:s9+$0x10]  }
0x1a4: {  	v46 =	vmul.f32 v50, v18;
	s29 =	sadd.s32 $0x30, s12;
	v22 =	vmul.f32 v22, v22;
	v3 =	vld.idx.msk [tilespmem:v43+s14+$0x0], $0xffff  }
0x1a5: {  	s8 =	sand.u32 $0xFF0, s29;
	v28 =	vmul.f32 v47, v19;
	v26 =	vmul.f32 v41, v19;
	v1 =	vadd.f32 v6, v1;
	v41 =	vld [tilespmem:s10+$0x10]  }
0x1a6: {  	v47 =	vmul.f32 v53, v17;
	v6 =	vmul.f32 v49, v16;
	v42 =	vld [tilespmem:s8+$0x6080]  }
0x1a7: {  	v38 =	vmul.f32 v38, v18;
	v39 =	vmul.f32 v39, v16;
	v22 =	vadd.f32 v22, v25;
	v25 =	vld [tilespmem:s8+$0x8080];
	[tilespmem:s18+$0xFFFFFFD0] =	vst v1  }
0x1a8: {  	s30 =	sadd.s32 $0x10, s12;
	v28 =	vadd.f32 v46, v28;
	v49 =	vmul.f32 v40, v17;
	v6 =	vadd.f32 v47, v6;
	v20 =	vld.idx.msk [tilespmem:v20+s14+$0x0], $0xffff  }
0x1a9: {  	s31 =	sand.u32 $0xFD0, s30;
	v26 =	vadd.f32 v38, v26;
	v4 =	vadd.f32 v4, v45;
	v51 =	vld [tilespmem:s10+$0xFFFFFFF0]  }
0x1aa: {  	v50 =	vmul.f32 v48, v15;
	v52 =	vld [tilespmem:s31+$0x6080];
	v6 =	vadd.f32 v6, v28;
	v28 =	vadd.f32 v49, v39  }
0x1ab: {  	v0 =	vmul.f32 v0, v0;
	v53 =	vld [tilespmem:s31+$0x7080];
	v5 =	vadd.f32 v5, v29;
	v29 =	vmul.f32 v44, v15  }
0x1ac: {  	v2 =	vmul.f32 v2, v2;
	v4 =	vadd.f32 v4, v50;
	v26 =	vadd.f32 v28, v26;
	v28 =	vld [tilespmem:s31+$0x8080]  }
0x1ad: {  	v0 =	vadd.f32 v0, v32;
	v5 =	vadd.f32 v5, v29;
	v29 =	vmul.f32 v30, v30;
	v30 =	vld [tilespmem:s31+$0x9080]  }
0x1ae: {  	v4 =	vadd.f32 v4, v6;
	v6 =	vld [tilespmem:s9+$0xFFFFFFF0]  }
0x1af: {  	v21 =	vmul.f32 v21, v21;
	v0 =	vadd.f32 v2, v0;
	v5 =	vadd.f32 v5, v26;
	v26 =	vld [tilespmem:s8+$0x7080]  }
0x1b0: {  	v63 =	vadd.s32 s24, v14;
	v57 =	vld [tilespmem:s8+$0x9080];
	v55 =	vmul.f32 v51, v13;
	v56 =	vmul.f32 v52, v10  }
0x1b1: {  	v3 =	vadd.f32 v3, v27;
	v58 =	vmul.f32 v53, v11;
	v13 =	vmul.f32 v41, v13  }
0x1b2: {  	v29 =	vadd.f32 v29, v34;
	v10 =	vmul.f32 v42, v10;
	v59 =	vmul.f32 v28, v12  }
0x1b3: {  	v60 =	vadd.f32 v56, v55;
	v62 =	vmul.f32 v30, v9;
	v20 =	vadd.f32 v20, v6  }
0x1b4: {  	v12 =	vmul.f32 v25, v12;
	v61 =	vadd.f32 v59, v58;
	v11 =	vmul.f32 v26, v11  }
0x1b5: {  	v10 =	vadd.f32 v10, v13;
	v9 =	vmul.f32 v57, v9;
	v20 =	vadd.f32 v20, v62  }
0x1b6: {  	v46 =	vmul.f32 v37, v37;
	v32 =	vadd.f32 v61, v60;
	v11 =	vadd.f32 v12, v11  }
0x1b7: {  	v54 =	vmul.f32 v4, v4;
	v13 =	vmul.f32 v23, v23;
	v3 =	vadd.f32 v3, v9  }
0x1b8: {  	v9 =	vadd.s32 s6, v14;
	v12 =	vadd.f32 v20, v32;
	v10 =	vadd.f32 v11, v10  }
0x1b9: {  	v23 =	vmul.f32 v28, v17;
	v14 =	vadd.f32 v21, v22;
	v22 =	vmul.f32 v52, v18  }
0x1ba: {  	v11 =	vmul.f32 v41, v19;
	v19 =	vmul.f32 v51, v19;
	[tilespmem:s18+$0xFFFFFFE0] =	vst v12;
	v3 =	vadd.f32 v3, v10  }
0x1bb: {  	v18 =	vmul.f32 v42, v18;
	v2 =	vadd.f32 v46, v14;
	v12 =	vmul.f32 v12, v12;
	v21 =	vld.idx.msk [tilespmem:v63+s14+$0x0], $0xffff  }
0x1bc: {  	v20 =	vadd.f32 v54, v31;
	v10 =	vmul.f32 v53, v16;
	v19 =	vadd.f32 v22, v19;
	[tilespmem:s18+$0x20] =	vst v3  }
0x1bd: {  	v22 =	vmul.f32 v36, v36;
	v3 =	vmul.f32 v3, v3;
	v0 =	vadd.f32 v12, v0;
	v9 =	vld.idx.msk [tilespmem:v9+s14+$0x0], $0xffff  }
0x1be: {  	v14 =	vmul.f32 v25, v17;
	v11 =	vadd.f32 v18, v11;
	v10 =	vadd.f32 v23, v10  }
0x1bf: {  	v12 =	vmul.f32 v26, v16;
	v2 =	vadd.f32 v22, v2;
	v0 =	vadd.f32 v3, v0  }
0x1c0: {  	v47 =	vmul.f32 v30, v15;
	v10 =	vadd.f32 v10, v19;
	v6 =	vadd.f32 v21, v6  }
0x1c1: {  	v16 =	vmul.f32 v5, v5;
	v12 =	vadd.f32 v14, v12;
	v0 =	vadd.f32 v0, v2  }
0x1c2: {  	v48 =	vadd.f32 v6, v47;
	v49 =	vadd.f32 v9, v27;
	v6 =	vmul.f32 v57, v15  }
0x1c3: {  	v11 =	vadd.f32 v12, v11;
	v9 =	vadd.f32 v13, v29;
	v0 =	vmul.f32 $3.906250000e-03, v0  }
0x1c4: {  	v2 =	vadd.f32 v48, v10;
	v3 =	vadd.f32 v49, v6  }
0x1c5: {  	v1 =	vmul.f32 v1, v1;
	v6 =	vadd.f32 v16, v20;
	v0 =	vadd.f32 $9.999999740e-06, v0  }
0x1c6: {  	v10 =	vmul.f32 v24, v24;
	v12 =	vmul.f32 v2, v2;
	v3 =	vadd.f32 v3, v11  }
0x1c7: {  	v1 =	vadd.f32 v1, v9;
	v9 =	vshra.s32 v0, $0x1;
	v0 =	vmul.f32 $5.000000000e-01, v0  }
0x1c8: {  	v9 =	vsub.s32 $0x5F3759DF, v9;
	v6 =	vadd.f32 v12, v6;
	v11 =	vmul.f32 v3, v3  }
0x1c9: {  	v12 =	vmul.f32 v9, v0  }
0x1ca: {  	v1 =	vadd.f32 v10, v1;
	v6 =	vadd.f32 v11, v6  }
0x1cb: {  	v10 =	vmul.f32 v9, v12  }
0x1cc: {  	v1 =	vadd.f32 v6, v1  }
0x1cd: {  	v6 =	vsub.f32 $1.500000000e+00, v10  }
0x1ce: {  	v1 =	vmul.f32 $3.906250000e-03, v1  }
0x1cf: {  	v6 =	vmul.f32 v9, v6  }
0x1d0: {  	v1 =	vadd.f32 $9.999999740e-06, v1  }
0x1d1: {  	v9 =	vmul.f32 v6, v0  }
0x1d2: {  	v10 =	vshra.s32 v1, $0x1;
	v1 =	vmul.f32 $5.000000000e-01, v1  }
0x1d3: {  	v9 =	vmul.f32 v9, v6;
	v10 =	vsub.s32 $0x5F3759DF, v10  }
0x1d4: {  	v11 =	vmul.f32 v10, v1  }
0x1d5: {  	s12 =	sadd.s32 $0xFFFFFFC0, s5;
	[tilespmem:s15+$0xD080] =	vst v5;
	v5 =	vsub.f32 $1.500000000e+00, v9  }
0x1d6: {  	[tilespmem:s16+$0xD080] =	vst v4;
	s6 =	sor.u32 $0x30, s12;
	v4 =	vmul.f32 v10, v11  }
0x1d7: {  	s5 =	sor.u32 $0x70, s5;
	[tilespmem:s6+$0xD080] =	vst v2;
	v50 =	vmul.f32 v5, v6  }
0x1d8: {  	[tilespmem:s5+$0xD080] =	vst v3;
	s5 =	simm.s32 @!p0 $0x2;
	v51 =	vsub.f32 $1.500000000e+00, v4  }
0x1d9: {  	_ =	swait.ge @!p0 [sflag:s5], $0x2000;
	v0 =	vmul.f32 v50, v0  }
0x1da: {  	[sflag:s5] =	ssyncset.done @!p0 $0x0;
	v2 =	vmul.f32 v10, v51  }
0x1db: {  	s13 =	simm.s32 $0xD0A0;
	[sflag:s5] =	ssyncadd.s32 @!p0 $0xFFFFE000;
	v0 =	vmul.f32 v0, v50  }
0x1dc: {  	v5 =	vld [tilespmem:s13+$0x0];
	v4 =	vmul.f32 v2, v1  }
0x1dd: {  	s16 =	simm.s32 $0x1;
	s15 =	simm.s32 $0xB090;
	v0 =	vsub.f32 $1.500000000e+00, v0  }
0x1de: {  	v6 =	vld [tilespmem:s15+$0x0];
	v10 =	vmov s16;
	v4 =	vmul.f32 v4, v2  }
0x1df: {  	s17 =	simm.s32 $0xC090;
	v11 =	vld [tilespmem:s13+$0xFFFFFFE0];
	v52 =	vshll.u32 v10, $0x3;
	v9 =	vmul.f32 v0, v50  }
0x1e0: {  	v10 =	vand.u32 $0x7F, v10;
	v0 =	vand.u32 $0x400, v52;
	v53 =	vsub.f32 $1.500000000e+00, v4;
	v4 =	vld [tilespmem:s17+$0x0]  }
0x1e1: {  	s29 =	simm.s32 $0x2;
	v19 =	vld [tilespmem:s15+$0xFFFFFFF0];
	v0 =	vor.u32 v10, v0;
	v5 =	vmul.f32 v5, v9  }
0x1e2: {  	v56 =	vmov s29;
	s18 =	simm.s32 $0x0;
	v54 =	vadd.s32 v7, v0  }
0x1e3: {  	s21 =	simm.s32 $0xD0E0;
	v27 =	vld [tilespmem:s17+$0xFFFFFFF0];
	v10 =	vmov s18;
	v2 =	vmul.f32 v53, v2;
	v5 =	vmul.f32 v5, v6  }
0x1e4: {  	v13 =	vld [tilespmem:s21+$0x0];
	v12 =	vshll.u32 v10, $0x3;
	v10 =	vand.u32 $0x7E, v10;
	v14 =	vmul.f32 v11, v9  }
0x1e5: {  	s22 =	simm.s32 $0x3;
	s23 =	simm.s32 $0xB0B0;
	v15 =	vld [tilespmem:s21+$0xFFFFFFE0];
	v12 =	vand.u32 $0x400, v12;
	v1 =	vmul.f32 v2, v1;
	v5 =	vadd.f32 v5, v4  }
0x1e6: {  	s24 =	simm.s32 $0xC0B0;
	v11 =	vld [tilespmem:s23+$0x0];
	v22 =	vor.u32 v10, v12;
	v10 =	vmov s22;
	v55 =	vmul.f32 v14, v19  }
0x1e7: {  	s31 =	simm.s32 $0x5;
	v14 =	vld [tilespmem:s24+$0x0];
	v16 =	vadd.s32 v7, v22;
	v1 =	vmul.f32 v1, v2;
	[tilespmem:v54+s20+$0x0] =	vst.idx.msk $0xffff, v5;
	v5 =	vshll.u32 v10, $0x3  }
0x1e8: {  	v25 =	vmov s31;
	v10 =	vand.u32 $0x7F, v10;
	v17 =	vld [tilespmem:s13+$0x10];
	v5 =	vand.u32 $0x400, v5  }
0x1e9: {  	v18 =	vmul.f32 v13, v9;
	v12 =	vld [tilespmem:s23+$0xFFFFFFF0];
	v1 =	vsub.f32 $1.500000000e+00, v1;
	v5 =	vor.u32 v10, v5  }
0x1ea: {  	s30 =	simm.s32 $0x4;
	v60 =	vshll.u32 v25, $0x3;
	s5 =	simm.s32 $0xD120;
	v3 =	vadd.f32 v55, v27;
	v57 =	vadd.s32 v7, v5  }
0x1eb: {  	v21 =	vmov s30;
	v59 =	vld [tilespmem:s5+$0x0];
	v58 =	vmul.f32 v18, v11;
	v10 =	vmul.f32 v1, v2  }
0x1ec: {  	v20 =	vand.u32 $0x7E, v56;
	v13 =	vld [tilespmem:s24+$0xFFFFFFF0];
	[tilespmem:v16+s20+$0x0] =	vst.idx.msk $0xffff, v3;
	v16 =	vmul.f32 v15, v9;
	v1 =	vshll.u32 v56, $0x3  }
0x1ed: {  	v3 =	vadd.f32 v58, v14;
	v18 =	vld [tilespmem:s13+$0xFFFFFFF0];
	v1 =	vand.u32 $0x400, v1;
	v17 =	vmul.f32 v17, v10  }
0x1ee: {  	s7 =	simm.s32 $0xB0D0;
	v28 =	vand.u32 $0x7E, v21;
	v23 =	vld [tilespmem:s5+$0xFFFFFFE0];
	v15 =	vor.u32 v20, v1;
	v20 =	vmul.f32 v16, v12  }
0x1ef: {  	v21 =	vshll.u32 v21, $0x3;
	v16 =	vld [tilespmem:s7+$0x0];
	v24 =	vadd.s32 v7, v15;
	v6 =	vmul.f32 v17, v6;
	[tilespmem:v57+s20+$0x0] =	vst.idx.msk $0xffff, v3  }
0x1f0: {  	s8 =	simm.s32 $0xC0D0;
	v62 =	vand.u32 $0x400, v21;
	v0 =	vadd.s32 v8, v0;
	v2 =	vand.u32 $0x400, v60;
	v29 =	vld [tilespmem:s21+$0x10]  }
0x1f1: {  	v1 =	vmul.f32 v59, v9;
	v17 =	vld [tilespmem:s8+$0x0];
	v4 =	vadd.f32 v6, v4;
	v6 =	vand.u32 $0x7F, v25  }
0x1f2: {  	v61 =	vadd.f32 v20, v13;
	v26 =	vmul.f32 v18, v10;
	v20 =	vld [tilespmem:s7+$0xFFFFFFF0];
	v18 =	vor.u32 v6, v2  }
0x1f3: {  	v21 =	vld [tilespmem:s8+$0xFFFFFFF0];
	v30 =	vmul.f32 v23, v9;
	v22 =	vadd.s32 v8, v22;
	v25 =	vadd.s32 v7, v18  }
0x1f4: {  	v63 =	vmul.f32 v26, v19;
	v1 =	vmul.f32 v1, v16;
	[tilespmem:v24+s20+$0x0] =	vst.idx.msk $0xffff, v61  }
0x1f5: {  	s9 =	simm.s32 $0x6;
	s6 =	simm.s32 $0xD160;
	v19 =	vor.u32 v28, v62;
	v24 =	vadd.s32 v8, v5;
	v23 =	vld [tilespmem:s21+$0xFFFFFFF0];
	v29 =	vmul.f32 v29, v10  }
0x1f6: {  	s10 =	simm.s32 $0x8;
	v26 =	vmov s9;
	v28 =	vld [tilespmem:s6+$0x0];
	v27 =	vadd.f32 v63, v27;
	[tilespmem:v0+s20+$0x0] =	vst.idx.msk $0xffff, v4;
	v31 =	vadd.f32 v1, v17  }
.LBB2_9:
0x1f7: {  	p0 =	slt.u32 s10, $0xFE;
	v0 =	vld [tilespmem:s6+$0xFFFFFFE0];
	s9 =	sadd.s32 $0x1, s9;
	v1 =	vmul.f32 v30, v20;
	v2 =	vadd.s32 v7, v19;
	s7 =	sadd.s32 $0x20, s7;
	v3 =	vmul.f32 v29, v11;
	v11 =	vmovc v16  }
0x1f8: {  	v4 =	vand.u32 $0x7E, v26;
	v6 =	vmovc v20;
	v32 =	vmovc v13;
	v16 =	vld [tilespmem:s7+$0x0];
	v5 =	vmov s9;
	[tilespmem:v25+s20+$0x0] =	vst.idx.msk $0xffff, v31;
	v13 =	vmov v21;
	s9 =	smov.u32 s10  }
0x1f9: {  	s8 =	sadd.s32 $0x20, s8;
	v20 =	vshll.u32 v5, $0x3;
	v1 =	vadd.f32 v1, v13;
	v29 =	vld [tilespmem:s5+$0x10];
	v3 =	vadd.f32 v3, v14;
	[tilespmem:v22+s20+$0x0] =	vst.idx.msk $0xffff, v27  }
0x1fa: {  	v5 =	vand.u32 $0x7F, v5;
	v22 =	vmul.f32 v23, v10;
	v14 =	vmovc v17;
	v21 =	vand.u32 $0x400, v20;
	v17 =	vld [tilespmem:s8+$0x0]  }
.Ltmp3:
0x1fb: {  	v23 =	vshll.u32 v26, $0x3;
	v20 =	vld [tilespmem:s7+$0xFFFFFFF0];
	v26 =	vmul.f32 v28, v9;
	v5 =	vor.u32 v5, v21;
	[tilespmem:v24+s20+$0x0] =	vst.idx.msk $0xffff, v3;
	(pc) =	sbr.rel @p0 .LBB2_9-.Ltmp3, $4  }
0x1fc: {  	v21 =	vld [tilespmem:s8+$0xFFFFFFF0];
	v30 =	vmul.f32 v0, v9;
	v0 =	vand.u32 $0x400, v23;
	v25 =	vadd.s32 v7, v5;
	[tilespmem:v2+s20+$0x0] =	vst.idx.msk $0xffff, v1  }
0x1fd: {  	v2 =	vmul.f32 v22, v12;
	v22 =	vadd.s32 v8, v15;
	v12 =	vmovc v6;
	v1 =	vmul.f32 v26, v16;
	v23 =	vld [tilespmem:s5+$0xFFFFFFF0];
	s5 =	smov.u32 s6  }
0x1fe: {  	v15 =	vmovc v19;
	v26 =	vmov s10;
	s6 =	sadd.s32 $0x40, s6;
	v19 =	vor.u32 v4, v0;
	v29 =	vmul.f32 v29, v10  }
0x1ff: {  	v24 =	vadd.s32 v8, v18;
	v18 =	vmovc v5;
	s10 =	sadd.s32 $0x2, s10;
	v27 =	vadd.f32 v2, v32;
	v28 =	vld [tilespmem:s6+$0x0];
	v31 =	vadd.f32 v1, v17  }
0x200: {  	v0 =	vld [tilespmem:s6+$0xFFFFFFE0];
	s9 =	sadd.s32 $0x1, s9;
	s7 =	sadd.s32 $0x20, s7  }
0x201: {  	v1 =	vmul.f32 v30, v20;
	v2 =	vld [tilespmem:s7+$0x0];
	v3 =	vmov s9  }
0x202: {  	v4 =	vadd.s32 v7, v19;
	v5 =	vand.u32 $0x7E, v26;
	s8 =	sadd.s32 $0x20, s8;
	v49 =	vld [tilespmem:s7+$0xFFFFFFF0];
	v6 =	vshll.u32 v3, $0x3  }
0x203: {  	v50 =	vshll.u32 v26, $0x3;
	v32 =	vld [tilespmem:s8+$0x0];
	v3 =	vand.u32 $0x7F, v3;
	v6 =	vand.u32 $0x400, v6  }
0x204: {  	v26 =	vand.u32 $0x400, v50;
	v28 =	vmul.f32 v28, v9;
	v3 =	vor.u32 v3, v6;
	v6 =	vld [tilespmem:s8+$0xFFFFFFF0]  }
0x205: {  	v5 =	vor.u32 v5, v26;
	v0 =	vmul.f32 v0, v9;
	v9 =	vadd.s32 v7, v3  }
0x206: {  	v52 =	vadd.s32 v7, v5;
	v51 =	vmul.f32 v28, v2  }
0x207: {  	v1 =	vadd.f32 v1, v21;
	v0 =	vmul.f32 v0, v49  }
0x208: {  	[tilespmem:v25+s20+$0x0] =	vst.idx.msk $0xffff, v31;
	v53 =	vadd.f32 v51, v32  }
0x209: {  	v54 =	vld [tilespmem:s5+$0x10];
	[tilespmem:v4+s20+$0x0] =	vst.idx.msk $0xffff, v1;
	v0 =	vadd.f32 v0, v6  }
0x20a: {  	v4 =	vmul.f32 v29, v11;
	[tilespmem:v9+s20+$0x0] =	vst.idx.msk $0xffff, v53;
	v9 =	vld [tilespmem:s5+$0xFFFFFFF0]  }
0x20b: {  	v55 =	vld [tilespmem:s6+$0x10];
	[tilespmem:v52+s20+$0x0] =	vst.idx.msk $0xffff, v0  }
0x20c: {  	v56 =	vadd.f32 v4, v14;
	v4 =	vld [tilespmem:s6+$0xFFFFFFF0]  }
0x20d: {  	v57 =	vadd.s32 v8, v15;
	v58 =	vadd.s32 v8, v18;
	v11 =	vmul.f32 v23, v10  }
0x20e: {  	v59 =	vadd.s32 v8, v19;
	[tilespmem:v22+s20+$0x0] =	vst.idx.msk $0xffff, v27;
	v1 =	vmul.f32 v54, v10  }
0x20f: {  	v5 =	vadd.s32 v8, v5;
	v11 =	vmul.f32 v11, v12;
	v9 =	vmul.f32 v9, v10  }
0x210: {  	v3 =	vadd.s32 v8, v3;
	v1 =	vmul.f32 v1, v16;
	v60 =	vmul.f32 v55, v10  }
0x211: {  	v11 =	vadd.f32 v11, v13;
	v9 =	vmul.f32 v9, v20;
	v4 =	vmul.f32 v4, v10  }
0x212: {  	[tilespmem:v24+s20+$0x0] =	vst.idx.msk $0xffff, v56;
	v1 =	vadd.f32 v1, v17;
	v2 =	vmul.f32 v60, v2  }
0x213: {  	[tilespmem:v57+s20+$0x0] =	vst.idx.msk $0xffff, v11;
	v61 =	vadd.f32 v9, v21;
	v4 =	vmul.f32 v4, v49  }
0x214: {  	[tilespmem:v58+s20+$0x0] =	vst.idx.msk $0xffff, v1;
	v62 =	vadd.f32 v2, v32  }
0x215: {  	s0 =	sadd.s32 s4, s0;
	[tilespmem:v59+s20+$0x0] =	vst.idx.msk $0xffff, v61;
	v63 =	vadd.f32 v4, v6  }
0x216: {  	s0 =	sshll.u32 s0, $0x5;
	[tilespmem:v3+s20+$0x0] =	vst.idx.msk $0xffff, v62  }
0x217: {  	s29 =	simm.s32 $0x12080;
	s1 =	sadd.s32 $0x1, s1;
	s0 =	sadd.s32 s2, s0;
	[tilespmem:v5+s20+$0x0] =	vst.idx.msk $0xffff, v63  }
0x218: {  	[hbm4b:s0+s3] =	stream.linear.scatter [tilespmem:s29], [sflag:$0x2], $0x800, $0x38;
	[tilespmem:$0x15080] =	vst v63  }
0x219: {  	p0 =	sne.s32 s1, $0x40;
	s30 =	sadd.s32 $0x100, s0  }
0x21a: {  	[hbm4b:s30+s3] =	stream.linear.scatter [tilespmem:s25], [sflag:$0x2], $0x800, $0x38;
	[tilespmem:$0x15080] =	vst v63  }
.Ltmp4:
0x21b: {  	_ = 	snop;
	(pc) =	sbr.rel @p0 .LBB2_2-.Ltmp4, $4  }
0x21c: {  	s31 =	sadd.s32 $0x200, s0  }
0x21d: {  	[hbm4b:s31+s3] =	stream.linear.scatter [tilespmem:s26], [sflag:$0x2], $0x800, $0x38;
	[tilespmem:$0x15080] =	vst v63  }
0x21e: {  	s0 =	sadd.s32 $0x300, s0  }
0x21f: {  	v6 =	vld [tilespmem:$0x1FFF0];
	[hbm4b:s0+s3] =	stream.linear.scatter [tilespmem:s28], [sflag:$0x2], $0x800, $0x38  }
0x220: {  	s0 =	simm.s32 $0x1  }
0x221: {  	_ =	swait.ge [sflag:s0], $0x2000  }
0x222: {  	[sflag:s0] =	ssyncset.done $0x0  }
0x223: {  	s1 =	simm.s32 $0x2;
	[sflag:s0] =	ssyncadd.s32 $0xFFFFE000  }
0x224: {  	_ =	swait.ge [sflag:s1], $0x2000  }
0x225: {  	s5 =	rddreg [dreg:$0xa]  }
0x226: {  	s31 =	rddreg [dreg:$0x9];
	s5 =	sadd.s32 $0x1, s5  }
0x227: {  	p0 =	sne.s32 s5, s31  }
.Ltmp5:
0x228: {  	_ = 	snop;
	(pc) =	sbr.rel @p0 .LBB2_1-.Ltmp5, $3  }
0x229: {  	_ =	sdelay $0x1  }
0x22a: {  	[sflag:s1] =	ssyncset.done $0x0  }
0x22b: {  	[sflag:s1] =	ssyncadd.s32 $0xFFFFE000  }
0x22c: {  	_ =	sfence.sel $0x180000  }
0x22d: {  	[bflag:$0x0] =	sbarrier.arrive $0xFFFF  }
0x22e: {  	_ =	strace $0x90000047  }
0x22f: {  	s0 =	stileid.u32;
	[bflag:$0x2] =	sbarrier.arrive $0xFFFF  }
0x230: {  	p0 =	sne.s32 s0, $0x0;
	s0 =	rddreg [dreg:$0x2]  }
0x231: {  	s0 =	sadd.s32 @!p0 $0x100000, s0  }
0x232: {  	[sflag:s0] =	ssyncadd.tile.s32 @!p0 $0x1;
	_ =	shalt  }
.Lfunc_end2:
_tile_overlayer_lowered:
.L_overlay_start_2:
0x233: {  	(tag) =	ssettag $0x2  }
0x234: {  	s0 =	rddreg [dreg:$0x0];
	s2 =	stileid.u32  }
0x235: {  	s1 =	rddreg [dreg:$0x1];
	p0 =	sne.s32 s2, $0x0  }
0x236: {  	s3 =	rddreg [dreg:$0x2];
	[bflag:$0x3] =	sbarrier.arrive $0xFFFF;
	s2 =	simm.s32 @!p0 $0x1C03  }
0x237: {  	[timem:s3], [sflag:s2] =	dma.local @!p0 [hbm:s0], s1  }
0x238: {  	s0 =	simm.s32 @!p0 $0x3  }
0x239: {  	_ =	swait.ge @!p0 [sflag:s0], s1  }
0x23a: {  	s1 =	ssub.s32 @!p0 $0x0, s1;
	[sflag:s0] =	ssyncset.done @!p0 $0x0  }
0x23b: {  	[sflag:s0] =	ssyncadd.s32 @!p0 s1  }
0x23c: {  	[bflag:$0x3] =	sbarrier.arrive $0xFFFF  }
0x23d: {  	_ =	shalt  }

</sc_bundles>
